<compile_context>
chip_gen: v7x
topology: tpu7x:2x2x1
jax: 0.10.2.dev20260603
libtpu: 0.0.44.dev20260713+nightly
codegen_flags: <defaults>
</compile_context>

<pallas_src>
import dataclasses
import functools

import jax
import jax.numpy as jnp
from jax import lax
from jax.experimental import pallas as pl
from jax.experimental.pallas import tpu as pltpu
from jax.experimental.pallas import tpu_sc as plsc

MASK_VAL = -100000000.0
SC_LANES = 16
SC_WORKERS = 32


def _leaky(x):
    return jnp.where(x >= 0, x, 0.01 * x)


def _tables_kernel(snapshots_ref, w_dst_t_ref, b_dst_ref, types_ref,
                   snap_emb_ref, w_dstt_t_ref, b_dstt_ref,
                   ea_ref, eb_ref, w_srct_t_ref, b_srct_ref,
                   attn_t_ref, bias_t_ref,
                   feat_dst_ref, et4_ref):
    f32 = jnp.float32
    nb = snapshots_ref.shape[0]
    feat_dst = jnp.dot(snapshots_ref[...], w_dst_t_ref[...],
                       preferred_element_type=f32) + b_dst_ref[...]
    feat_dst_ref[0:nb, :] = feat_dst.astype(feat_dst_ref.dtype)
    feat_dst_ref[nb:, :] = jnp.zeros_like(feat_dst_ref[nb:, :])

    ncols = snap_emb_ref.shape[0]
    iota = lax.broadcasted_iota(jnp.int32, (1, ncols), 1)
    onehot = (types_ref[...] == iota).astype(f32)
    dst_type_h = jnp.dot(onehot, snap_emb_ref[...], preferred_element_type=f32)
    dproj = jnp.dot(dst_type_h, w_dstt_t_ref[...],
                    preferred_element_type=f32) + b_dstt_ref[...]

    ea = ea_ref[...]
    eb = eb_ref[...]
    attn_t = attn_t_ref[...]
    bias_t = bias_t_ref[...]
    cols = []
    for a in (0, 1):
        for b in (0, 1):
            t = ea[a:a + 1, :] + eb[b:b + 1, :]
            tp = jnp.dot(t, w_srct_t_ref[...],
                         preferred_element_type=f32) + b_srct_ref[...]
            col = jnp.sum(_leaky(dproj + tp + bias_t) * attn_t,
                          axis=1, keepdims=True)
            cols.append(col)
    et4_ref[...] = jnp.concatenate(cols, axis=1)


SC_BLK = 448


def _sc_etm_kernel(tab_hbm, code_hbm, out_hbm,
                   tab_v, code_v, out_v, sem, *, chunk):
    wid = lax.axis_index("s") * 2 + lax.axis_index("c")
    base = wid * chunk
    pltpu.async_copy(tab_hbm, tab_v, sem).wait()

    @pl.loop(0, chunk, step=SC_BLK)
    def _(off):
        pltpu.async_copy(code_hbm.at[pl.ds(base + off, SC_BLK)],
                         code_v, sem).wait()

        @pl.loop(0, SC_BLK, step=SC_LANES)
        def _(i):
            code16 = code_v[pl.ds(i, SC_LANES)]
            s16 = lax.shift_right_logical(code16, 2)
            c16 = lax.bitwise_and(code16, 3)
            v = plsc.load_gather(tab_v, [c16, s16])
            out_v[pl.ds(i, SC_LANES)] = v + jnp.where(c16 == 0, MASK_VAL, 0.0)

        pltpu.async_copy(out_v, out_hbm.at[pl.ds(base + off, SC_BLK)],
                         sem).wait()


def _sc_etm(et4, code, n):
    per_w = SC_WORKERS * SC_BLK
    npad = ((n + per_w - 1) // per_w) * per_w
    chunk = npad // SC_WORKERS
    codep = jnp.pad(code, (0, npad - n))
    mesh = plsc.VectorSubcoreMesh(core_axis_name="c", subcore_axis_name="s")
    cp = pltpu.CompilerParams()
    if "needs_layout_passes" in pltpu.CompilerParams.__dataclass_fields__:
        cp = dataclasses.replace(cp, needs_layout_passes=False)
    k = pl.kernel(
        functools.partial(_sc_etm_kernel, chunk=chunk),
        out_type=jax.ShapeDtypeStruct((npad,), jnp.float32),
        mesh=mesh,
        compiler_params=cp,
        scratch_types=[
            pltpu.VMEM(et4.shape, jnp.float32),
            pltpu.VMEM((SC_BLK,), jnp.int32),
            pltpu.VMEM((SC_BLK,), jnp.float32),
            pltpu.SemaphoreType.DMA,
        ],
    )
    return k(et4, codep)[:n]


def _main_kernel(base_ref, maxs_ref,
                 papers_ref, seg_ref, segr_ref, etm_ref,
                 feat_dst_ref, w_src_t_ref, bias_eff_ref,
                 attn_col_ref, w_out_t_ref, b_out_ref,
                 out_ref, acc_ref, d_ref, fd_ref,
                 *, grid_n, win, nseg):
    f32 = jnp.float32
    bf16 = jnp.bfloat16
    i = pl.program_id(0)

    @pl.when(i == 0)
    def _init():
        acc_ref[...] = jnp.zeros_like(acc_ref)
        d_ref[...] = jnp.zeros_like(d_ref)

    papers = papers_ref[...]
    seg = seg_ref[0]
    seg_row = segr_ref[0]
    etm = etm_ref[0]

    base_al = (base_ref[i] // 16) * 16
    nch = (maxs_ref[i] - base_al) // win + 1

    iota_w = lax.broadcasted_iota(jnp.int32, (1, win), 1)

    papers_bf = papers.astype(bf16)
    fs = jnp.dot(papers_bf, w_src_t_ref[...],
                 preferred_element_type=f32) + bias_eff_ref[...]

    def softmax_weights(fd):
        x = _leaky(fs + fd)
        e = jnp.dot(x, attn_col_ref[...], preferred_element_type=f32)
        return jnp.exp(e + etm)

    cdims = (((0,), (0,)), ((), ()))

    @pl.when(nch == 1)
    def _fast():
        iota_col = lax.broadcasted_iota(jnp.int32, (win, papers.shape[0]), 0)
        oht = ((seg_row - base_al) == iota_col).astype(bf16)
        fd = lax.dot_general(oht, feat_dst_ref[pl.ds(base_al, win), :],
                             cdims, preferred_element_type=f32)
        ex = softmax_weights(fd)
        wp = (papers * ex).astype(bf16)
        acc_ref[pl.ds(base_al, win), :] += jnp.dot(
            oht, wp, preferred_element_type=f32)
        d_ref[pl.ds(base_al, win), :] += jnp.dot(
            oht, ex.astype(bf16), preferred_element_type=f32)

    @pl.when(nch > 1)
    def _general():
        def make_oh(c):
            s_c = base_al + c * win
            oh = ((seg - s_c) == iota_w).astype(bf16)
            return s_c, oh

        def gather_body(c, _):
            s_c, oh = make_oh(c)
            fd_c = jnp.dot(oh, feat_dst_ref[pl.ds(s_c, win), :],
                           preferred_element_type=f32)

            @pl.when(c == 0)
            def _():
                fd_ref[...] = fd_c

            @pl.when(c > 0)
            def _():
                fd_ref[...] += fd_c

            return 0

        lax.fori_loop(0, nch, gather_body, 0)
        ex = softmax_weights(fd_ref[...])
        wp = (papers * ex).astype(bf16)
        ex_bf = ex.astype(bf16)

        def scatter_body(c, _):
            s_c, oh = make_oh(c)
            acc_ref[pl.ds(s_c, win), :] += lax.dot_general(
                oh, wp, cdims, preferred_element_type=f32)
            d_ref[pl.ds(s_c, win), :] += lax.dot_general(
                oh, ex_bf, cdims, preferred_element_type=f32)
            return 0

        lax.fori_loop(0, nch, scatter_body, 0)

    @pl.when(i == grid_n - 1)
    def _final():
        sums = acc_ref[0:nseg, :] / d_ref[0:nseg, :]
        out_ref[...] = jnp.dot(sums, w_out_t_ref[...],
                               preferred_element_type=f32) + b_out_ref[...]


def kernel(papers, snapshots, cur_snapshot_types, segment_ids, attr_a, attr_b,
           W_src, b_src, W_dst, b_dst, W_src_t, b_src_t, W_dst_t, b_dst_t,
           W_out, b_out, attn, attn_t, bias, bias_t,
           snap_emb, attr_emb_a, attr_emb_b):
    f32 = jnp.float32
    N, D = papers.shape
    B = snapshots.shape[0]

    T = 1
    for t in range(8, 2049, 8):
        if N % t == 0:
            T = t
    grid_n = N // T
    win = min(128, B)
    BP = B + win

    seg = segment_ids.astype(jnp.int32)
    seg3 = seg.reshape(grid_n, T, 1)
    segr3 = seg.reshape(grid_n, 1, T)
    combo = attr_a.astype(jnp.int32) * 2 + attr_b.astype(jnp.int32)
    base = seg[::T]
    maxs = seg[T - 1::T]

    S1 = snap_emb.shape[0]
    S_pad = ((S1 + 7) // 8) * 8
    snap_emb_p = jnp.pad(snap_emb, ((0, S_pad - S1), (0, 0)))
    types2 = cur_snapshot_types.astype(jnp.int32).reshape(B, 1)

    feat_dst, et4 = pl.pallas_call(
        _tables_kernel,
        out_shape=(jax.ShapeDtypeStruct((BP, D), jnp.bfloat16),
                   jax.ShapeDtypeStruct((B, 4), jnp.float32)),
    )(snapshots, W_dst.T, b_dst.reshape(1, D), types2,
      snap_emb_p, W_dst_t.T, b_dst_t.reshape(1, D),
      attr_emb_a, attr_emb_b, W_src_t.T, b_src_t.reshape(1, D),
      attn_t, bias_t)

    etm3 = _sc_etm(et4.T, seg * 4 + combo, N).reshape(grid_n, T, 1)

    bias_eff = bias + b_src.reshape(1, D)

    main = pl.pallas_call(
        functools.partial(_main_kernel, grid_n=grid_n, win=win, nseg=B),
        grid_spec=pltpu.PrefetchScalarGridSpec(
            num_scalar_prefetch=2,
            grid=(grid_n,),
            in_specs=[
                pl.BlockSpec((T, D), lambda i, b_, m_: (i, 0)),
                pl.BlockSpec((1, T, 1), lambda i, b_, m_: (i, 0, 0)),
                pl.BlockSpec((1, 1, T), lambda i, b_, m_: (i, 0, 0)),
                pl.BlockSpec((1, T, 1), lambda i, b_, m_: (i, 0, 0)),
                pl.BlockSpec((BP, D), lambda i, b_, m_: (0, 0)),
                pl.BlockSpec((D, D), lambda i, b_, m_: (0, 0)),
                pl.BlockSpec((1, D), lambda i, b_, m_: (0, 0)),
                pl.BlockSpec((D, 1), lambda i, b_, m_: (0, 0)),
                pl.BlockSpec((D, D), lambda i, b_, m_: (0, 0)),
                pl.BlockSpec((1, D), lambda i, b_, m_: (0, 0)),
            ],
            out_specs=pl.BlockSpec((B, D), lambda i, b_, m_: (0, 0)),
            scratch_shapes=[
                pltpu.VMEM((BP, D), f32),
                pltpu.VMEM((BP, 1), f32),
                pltpu.VMEM((T, D), f32),
            ],
        ),
        out_shape=jax.ShapeDtypeStruct((B, D), f32),
        compiler_params=pltpu.CompilerParams(
            dimension_semantics=("arbitrary",),
        ),
    )(base, maxs,
      papers, seg3, segr3, etm3,
      feat_dst, W_src.T.astype(jnp.bfloat16), bias_eff,
      attn.reshape(D, 1), W_out.T, b_out.reshape(1, D))

    return (main, segment_ids)

# --- scband reference (transcript-rebuilt; emitter-appended) ---
"""Pipeline reference for scband-simple-snapshot-weighter-26319559590626 (READ-ONLY COPY).

The authoritative reference and input builder live on the scoring server;
editing this copy changes nothing except your own understanding.
"""

import jax, jax.numpy as jnp
import numpy as np

N = 100000
B = 1024
D = 256
S = 10


def leaky(x):
    return jnp.where(x >= 0, x, 0.01 * x)


def setup_inputs(seed: int = 0) -> dict:
    key = jax.random.key(seed)
    ks = jax.random.split(key, 24)
    s = 1.0 / np.sqrt(D)
    inp = {}
    inp["papers"] = jax.random.normal(ks[0], (N, D), jnp.float32)
    inp["snapshots"] = jax.random.normal(ks[1], (B, D), jnp.float32)
    inp["cur_snapshot_types"] = jax.random.randint(ks[2], (N,)[:0] + (B,), 0, S)
    inp["segment_ids"] = jnp.sort(jax.random.randint(ks[3], (N,), 0, B))
    inp["attr_a"] = jax.random.randint(ks[4], (N,), 0, 2)
    inp["attr_b"] = jax.random.randint(ks[5], (N,), 0, 2)
    inp["W_src"] = jax.random.normal(ks[6], (D, D), jnp.float32) * s
    inp["b_src"] = jnp.zeros((D,), jnp.float32)
    inp["W_dst"] = jax.random.normal(ks[7], (D, D), jnp.float32) * s
    inp["b_dst"] = jnp.zeros((D,), jnp.float32)
    inp["W_src_t"] = jax.random.normal(ks[8], (D, D), jnp.float32) * s
    inp["b_src_t"] = jnp.zeros((D,), jnp.float32)
    inp["W_dst_t"] = jax.random.normal(ks[9], (D, D), jnp.float32) * s
    inp["b_dst_t"] = jnp.zeros((D,), jnp.float32)
    inp["W_out"] = jax.random.normal(ks[10], (D, D), jnp.float32) * s
    inp["b_out"] = jnp.zeros((D,), jnp.float32)
    inp["attn"] = jax.random.normal(ks[11], (1, D), jnp.float32) * s
    inp["attn_t"] = jax.random.normal(ks[12], (1, D), jnp.float32) * s
    inp["bias"] = jax.random.uniform(ks[13], (1, D), jnp.float32, -s, s)
    inp["bias_t"] = jax.random.uniform(ks[14], (1, D), jnp.float32, -s, s)
    snap_emb = jax.random.normal(ks[15], (S + 1, D), jnp.float32) * 0.02
    inp["snap_emb"] = snap_emb.at[S].set(0.0)  # padding_idx=-1 -> last row zero
    ea = jax.random.normal(ks[16], (2, D), jnp.float32) * 0.02
    inp["attr_emb_a"] = ea.at[0].set(0.0)  # padding_idx=0
    eb = jax.random.normal(ks[17], (2, D), jnp.float32) * 0.02
    inp["attr_emb_b"] = eb.at[0].set(0.0)
    return inp


def reference(papers, snapshots, cur_snapshot_types, segment_ids, attr_a, attr_b,
              W_src, b_src, W_dst, b_dst, W_src_t, b_src_t, W_dst_t, b_dst_t,
              W_out, b_out, attn, attn_t, bias, bias_t,
              snap_emb, attr_emb_a, attr_emb_b):
    feat_src = papers @ W_src.T + b_src
    src_type_h = attr_emb_a[attr_a] + attr_emb_b[attr_b]
    dst_type_h = snap_emb[cur_snapshot_types]
    feat_dst = (snapshots @ W_dst.T + b_dst)[segment_ids]
    e = leaky(feat_src + feat_dst + bias)
    e = (e * attn).sum(axis=-1)
    dst_t_proj = dst_type_h @ W_dst_t.T + b_dst_t
    et = leaky(src_type_h @ W_src_t.T + b_src_t + dst_t_proj[segment_ids] + bias_t)
    et = (et * attn_t).sum(axis=-1)
    e = (e + et)[:, None]
    mask_indicator = ((attr_a + attr_b) == 0).astype(jnp.float32) * -100000000.0
    logits = e + mask_indicator[:, None]
    seg_max = jax.ops.segment_max(logits, segment_ids, num_segments=B, indices_are_sorted=True)
    ex = jnp.exp(logits - jax.lax.stop_gradient(seg_max)[segment_ids])
    denom = jax.ops.segment_sum(ex, segment_ids, num_segments=B, indices_are_sorted=True)
    a = ex / denom[segment_ids]
    sum_out = jax.ops.segment_sum(a * papers, segment_ids, num_segments=B, indices_are_sorted=True)
    sum_out = sum_out @ W_out.T + b_out
    return (sum_out, segment_ids)

if __name__ == "__main__":
    import jax
    _d = setup_inputs()
    print(jax.jit(kernel)(*tuple(_d.values())))

</pallas_src>

<mosaic_0001>
#map = affine_map<(d0, d1) -> (0, 0)>
#map1 = affine_map<(d0, d1) -> (0)>
module attributes {stable_mosaic.version = 14 : i64} {
  func.func @_sc_etm_kernel(%arg0: i32, %arg1: i32, %arg2: memref<4x1024xf32, #tpu.memory_space<hbm>>, %arg3: memref<100352xi32, #tpu.memory_space<hbm>>, %arg4: memref<100352xf32, #tpu.memory_space<hbm>>, %arg5: memref<4x1024xf32, #tpu.memory_space<vmem>>, %arg6: memref<448xi32, #tpu.memory_space<vmem>>, %arg7: memref<448xf32, #tpu.memory_space<vmem>>, %arg8: memref<!tpu.dma_semaphore, #tpu.memory_space<semaphore_mem>>) attributes {dimension_semantics = [#tpu.dimension_semantics<core_parallel>, #tpu.dimension_semantics<subcore_parallel>], iteration_bounds = array<i64: 2, 16>, scalar_prefetch = 0 : i64, scratch_operands = 4 : i64, tpu.core_type = #tpu.core_type<sc_vector_subcore>, window_params = [{transform_indices = #map}, {transform_indices = #map1}, {transform_indices = #map1}]} {
    %mul3A = arith.constant 2 : i32
    %mul3A_0 = arith.muli %arg1, %mul3A : i32
    %add3A = arith.addi %mul3A_0, %arg0 : i32
    %mul3A_1 = arith.constant 3136 : i32
    %mul3A_2 = arith.muli %add3A, %mul3A_1 : i32
    tpu.enqueue_dma source(%arg2 : memref<4x1024xf32, #tpu.memory_space<hbm>>) target(%arg5 : memref<4x1024xf32, #tpu.memory_space<vmem>>) target_semaphore(%arg8 : memref<!tpu.dma_semaphore, #tpu.memory_space<semaphore_mem>>)
    tpu.wait_dma2 semaphore(%arg8 : memref<!tpu.dma_semaphore, #tpu.memory_space<semaphore_mem>>) src(%arg2 : memref<4x1024xf32, #tpu.memory_space<hbm>>) dst(%arg5 : memref<4x1024xf32, #tpu.memory_space<vmem>>)
    %scan3A = arith.constant 0 : i32
    %scan3A_3 = arith.constant 7 : i32
    %scan3A_4 = arith.addi %scan3A, %scan3A_3 : i32
    %scan3A_5 = arith.constant 1 : i32
    scf.for %scan3A_7 = %scan3A to %scan3A_4 step %scan3A_5  : i32 {
      %mul3A_8 = arith.constant 448 : i32
      %mul3A_9 = arith.muli %scan3A_7, %mul3A_8 : i32
      %add3A_10 = arith.constant 0 : i32
      %add3A_11 = arith.addi %add3A_10, %mul3A_9 : i32
      %add3A_12 = arith.addi %mul3A_2, %add3A_11 : i32
      %dma_start3A = tpu.memref_slice %arg3[%add3A_12] : memref<100352xi32, #tpu.memory_space<hbm>> -> memref<448xi32, #tpu.memory_space<hbm>>
      %dma_start3A_13 = tpu.memref_slice %arg3[%add3A_12] : memref<100352xi32, #tpu.memory_space<hbm>> -> memref<448xi32, #tpu.memory_space<hbm>>
      tpu.enqueue_dma source(%dma_start3A_13 : memref<448xi32, #tpu.memory_space<hbm>>) target(%arg6 : memref<448xi32, #tpu.memory_space<vmem>>) target_semaphore(%arg8 : memref<!tpu.dma_semaphore, #tpu.memory_space<semaphore_mem>>)
      %dma_wait3A = tpu.memref_slice %arg3[%add3A_12] : memref<100352xi32, #tpu.memory_space<hbm>> -> memref<448xi32, #tpu.memory_space<hbm>>
      %dma_wait3A_14 = tpu.memref_slice %arg3[%add3A_12] : memref<100352xi32, #tpu.memory_space<hbm>> -> memref<448xi32, #tpu.memory_space<hbm>>
      tpu.wait_dma2 semaphore(%arg8 : memref<!tpu.dma_semaphore, #tpu.memory_space<semaphore_mem>>) src(%dma_wait3A_14 : memref<448xi32, #tpu.memory_space<hbm>>) dst(%arg6 : memref<448xi32, #tpu.memory_space<vmem>>)
      %scan3A_15 = arith.constant 0 : i32
      %scan3A_16 = arith.constant 28 : i32
      %scan3A_17 = arith.addi %scan3A_15, %scan3A_16 : i32
      %scan3A_18 = arith.constant 1 : i32
      scf.for %scan3A_25 = %scan3A_15 to %scan3A_17 step %scan3A_18  : i32 {
        %mul3A_26 = arith.constant 16 : i32
        %mul3A_27 = arith.muli %scan3A_25, %mul3A_26 : i32
        %add3A_28 = arith.constant 0 : i32
        %add3A_29 = arith.addi %add3A_28, %mul3A_27 : i32
        %get3A = arith.index_cast %add3A_29 : i32 to index
        %get3A_30 = tpu.vector_load %arg6[%get3A] {strides = array<i32>} : memref<448xi32, #tpu.memory_space<vmem>>, vector<16xi32>,
        %shift_right_logical3A = arith.constant 2 : i32
        %shift_right_logical3A_31 = vector.broadcast %shift_right_logical3A : i32 to vector<16xi32>
        %shift_right_logical3A_32 = arith.shrui %get3A_30, %shift_right_logical3A_31 : vector<16xi32>
        %and3A = arith.constant 3 : i32
        %and3A_33 = vector.broadcast %and3A : i32 to vector<16xi32>
        %and3A_34 = arith.andi %get3A_30, %and3A_33 : vector<16xi32>
        %gather3A = tpu.vector_load_idx %arg5[%and3A_34, %shift_right_logical3A_32] : memref<4x1024xf32, #tpu.memory_space<vmem>>[vector<16xi32>, vector<16xi32>], vector<16xf32>,
        %eq3A = arith.constant 0 : i32
        %eq3A_35 = vector.broadcast %eq3A : i32 to vector<16xi32>
        %eq3A_36 = arith.cmpi eq, %and3A_34, %eq3A_35 : vector<16xi32>
        %jit3A = arith.constant -1.000000e+08 : f32
        %jit3A_37 = arith.constant 0.000000e+00 : f32
        %broadcast_in_dim3A = vector.broadcast %jit3A : f32 to vector<16xf32>
        %broadcast_in_dim3A_38 = vector.broadcast %jit3A_37 : f32 to vector<16xf32>
        %select_n3A = arith.select %eq3A_36, %broadcast_in_dim3A, %broadcast_in_dim3A_38 : vector<16xi1>, vector<16xf32>
        %add3A_39 = arith.addf %gather3A, %select_n3A : vector<16xf32>
        %swap3A = arith.index_cast %add3A_29 : i32 to index
        %swap3A_40 = tpu.vector_load %arg7[%swap3A] {strides = array<i32>} : memref<448xf32, #tpu.memory_space<vmem>>, vector<16xf32>,
        tpu.vector_store %arg7[%swap3A], %add3A_39 {strides = array<i32>} : memref<448xf32, #tpu.memory_space<vmem>>, vector<16xf32>,
      }
      %scan3A_19 = arith.constant 28 : i32
      %add3A_20 = arith.addi %mul3A_2, %add3A_11 : i32
      %dma_start3A_21 = tpu.memref_slice %arg4[%add3A_20] : memref<100352xf32, #tpu.memory_space<hbm>> -> memref<448xf32, #tpu.memory_space<hbm>>
      %dma_start3A_22 = tpu.memref_slice %arg4[%add3A_20] : memref<100352xf32, #tpu.memory_space<hbm>> -> memref<448xf32, #tpu.memory_space<hbm>>
      tpu.enqueue_dma source(%arg7 : memref<448xf32, #tpu.memory_space<vmem>>) target(%dma_start3A_22 : memref<448xf32, #tpu.memory_space<hbm>>) target_semaphore(%arg8 : memref<!tpu.dma_semaphore, #tpu.memory_space<semaphore_mem>>)
      %dma_wait3A_23 = tpu.memref_slice %arg4[%add3A_20] : memref<100352xf32, #tpu.memory_space<hbm>> -> memref<448xf32, #tpu.memory_space<hbm>>
      %dma_wait3A_24 = tpu.memref_slice %arg4[%add3A_20] : memref<100352xf32, #tpu.memory_space<hbm>> -> memref<448xf32, #tpu.memory_space<hbm>>
      tpu.wait_dma2 semaphore(%arg8 : memref<!tpu.dma_semaphore, #tpu.memory_space<semaphore_mem>>) src(%arg7 : memref<448xf32, #tpu.memory_space<vmem>>) dst(%dma_wait3A_24 : memref<448xf32, #tpu.memory_space<hbm>>)
    }
    %scan3A_6 = arith.constant 7 : i32
    return
  }
}

module attributes {stable_mosaic.version = 14 : i64} {
  func.func @_tables_kernel(%arg0: memref<1024x256xf32, #tpu.memory_space<vmem>>, %arg1: memref<256x256xf32, #tpu.memory_space<vmem>>, %arg2: memref<1x256xf32, #tpu.memory_space<vmem>>, %arg3: memref<1024x1xi32, #tpu.memory_space<vmem>>, %arg4: memref<16x256xf32, #tpu.memory_space<vmem>>, %arg5: memref<256x256xf32, #tpu.memory_space<vmem>>, %arg6: memref<1x256xf32, #tpu.memory_space<vmem>>, %arg7: memref<2x256xf32, #tpu.memory_space<vmem>>, %arg8: memref<2x256xf32, #tpu.memory_space<vmem>>, %arg9: memref<256x256xf32, #tpu.memory_space<vmem>>, %arg10: memref<1x256xf32, #tpu.memory_space<vmem>>, %arg11: memref<1x256xf32, #tpu.memory_space<vmem>>, %arg12: memref<1x256xf32, #tpu.memory_space<vmem>>, %arg13: memref<1152x256xbf16, #tpu.memory_space<vmem>>, %arg14: memref<1024x4xf32, #tpu.memory_space<vmem>>) attributes {dimension_semantics = [], scalar_prefetch = 0 : i64, scratch_operands = 0 : i64, tpu.core_type = #tpu.core_type<tc>} {
    %get3A = arith.constant 0 : index
    %get3A_0 = arith.constant 0 : index
    %get3A_1 = vector.load %arg0[%get3A, %get3A_0] : memref<1024x256xf32, #tpu.memory_space<vmem>>, vector<1024x256xf32>
    %get3A_2 = arith.constant 0 : index
    %get3A_3 = arith.constant 0 : index
    %get3A_4 = vector.load %arg1[%get3A_2, %get3A_3] : memref<256x256xf32, #tpu.memory_space<vmem>>, vector<256x256xf32>
    %dot_general3A = arith.constant dense<0.000000e+00> : vector<1024x256xf32>
    %dot_general3A_5 = tpu.matmul %get3A_1, %get3A_4, %dot_general3A {dimension_numbers = #tpu.dot_dimension_numbers<[1], [0], [0], [1], [0, 0, 1, 1], [], []>, transpose_lhs_hint = false} : vector<1024x256xf32>, vector<256x256xf32>, vector<1024x256xf32> -> vector<1024x256xf32>
    %get3A_6 = arith.constant 0 : index
    %get3A_7 = arith.constant 0 : index
    %get3A_8 = vector.load %arg2[%get3A_6, %get3A_7] : memref<1x256xf32, #tpu.memory_space<vmem>>, vector<1x256xf32>
    %add3A = vector.broadcast %get3A_8 : vector<1x256xf32> to vector<1024x256xf32>
    %add3A_9 = arith.addf %dot_general3A_5, %add3A : vector<1024x256xf32>
    %convert_element_type3A = arith.truncf %add3A_9 : vector<1024x256xf32> to vector<1024x256xbf16>
    %swap3A = arith.constant 0 : index
    %swap3A_10 = arith.constant 0 : index
    %swap3A_11 = vector.load %arg13[%swap3A, %swap3A_10] : memref<1152x256xbf16, #tpu.memory_space<vmem>>, vector<1024x256xbf16>
    tpu.vector_store %arg13[%swap3A, %swap3A_10], %convert_element_type3A {strides = array<i32>} : memref<1152x256xbf16, #tpu.memory_space<vmem>>, vector<1024x256xbf16>,
    %broadcast_in_dim3A = arith.constant 0.000000e+00 : bf16
    %broadcast_in_dim3A_12 = vector.broadcast %broadcast_in_dim3A : bf16 to vector<128x256xbf16>
    %swap3A_13 = arith.constant 1024 : index
    %swap3A_14 = arith.constant 0 : index
    %swap3A_15 = vector.load %arg13[%swap3A_13, %swap3A_14] : memref<1152x256xbf16, #tpu.memory_space<vmem>>, vector<128x256xbf16>
    tpu.vector_store %arg13[%swap3A_13, %swap3A_14], %broadcast_in_dim3A_12 {strides = array<i32>} : memref<1152x256xbf16, #tpu.memory_space<vmem>>, vector<128x256xbf16>,
    %iota3A = tpu.iota {dimensions = array<i32: 1>} : vector<1x16xi32>
    %get3A_16 = arith.constant 0 : index
    %get3A_17 = arith.constant 0 : index
    %get3A_18 = vector.load %arg3[%get3A_16, %get3A_17] : memref<1024x1xi32, #tpu.memory_space<vmem>>, vector<1024x1xi32>
    %eq3A = vector.broadcast %get3A_18 : vector<1024x1xi32> to vector<1024x16xi32>
    %eq3A_19 = vector.broadcast %iota3A : vector<1x16xi32> to vector<1024x16xi32>
    %eq3A_20 = arith.cmpi eq, %eq3A, %eq3A_19 : vector<1024x16xi32>
    %convert_element_type3A_21 = arith.extui %eq3A_20 : vector<1024x16xi1> to vector<1024x16xi32>
    %convert_element_type3A_22 = arith.sitofp %convert_element_type3A_21 : vector<1024x16xi32> to vector<1024x16xf32>
    %get3A_23 = arith.constant 0 : index
    %get3A_24 = arith.constant 0 : index
    %get3A_25 = vector.load %arg4[%get3A_23, %get3A_24] : memref<16x256xf32, #tpu.memory_space<vmem>>, vector<16x256xf32>
    %dot_general3A_26 = arith.constant dense<0.000000e+00> : vector<1024x256xf32>
    %dot_general3A_27 = tpu.matmul %convert_element_type3A_22, %get3A_25, %dot_general3A_26 {dimension_numbers = #tpu.dot_dimension_numbers<[1], [0], [0], [1], [0, 0, 1, 1], [], []>, transpose_lhs_hint = false} : vector<1024x16xf32>, vector<16x256xf32>, vector<1024x256xf32> -> vector<1024x256xf32>
    %get3A_28 = arith.constant 0 : index
    %get3A_29 = arith.constant 0 : index
    %get3A_30 = vector.load %arg5[%get3A_28, %get3A_29] : memref<256x256xf32, #tpu.memory_space<vmem>>, vector<256x256xf32>
    %dot_general3A_31 = arith.constant dense<0.000000e+00> : vector<1024x256xf32>
    %dot_general3A_32 = tpu.matmul %dot_general3A_27, %get3A_30, %dot_general3A_31 {dimension_numbers = #tpu.dot_dimension_numbers<[1], [0], [0], [1], [0, 0, 1, 1], [], []>, transpose_lhs_hint = false} : vector<1024x256xf32>, vector<256x256xf32>, vector<1024x256xf32> -> vector<1024x256xf32>
    %get3A_33 = arith.constant 0 : index
    %get3A_34 = arith.constant 0 : index
    %get3A_35 = vector.load %arg6[%get3A_33, %get3A_34] : memref<1x256xf32, #tpu.memory_space<vmem>>, vector<1x256xf32>
    %add3A_36 = vector.broadcast %get3A_35 : vector<1x256xf32> to vector<1024x256xf32>
    %add3A_37 = arith.addf %dot_general3A_32, %add3A_36 : vector<1024x256xf32>
    %get3A_38 = arith.constant 0 : index
    %get3A_39 = arith.constant 0 : index
    %get3A_40 = vector.load %arg7[%get3A_38, %get3A_39] : memref<2x256xf32, #tpu.memory_space<vmem>>, vector<2x256xf32>
    %get3A_41 = arith.constant 0 : index
    %get3A_42 = arith.constant 0 : index
    %get3A_43 = vector.load %arg8[%get3A_41, %get3A_42] : memref<2x256xf32, #tpu.memory_space<vmem>>, vector<2x256xf32>
    %get3A_44 = arith.constant 0 : index
    %get3A_45 = arith.constant 0 : index
    %get3A_46 = vector.load %arg11[%get3A_44, %get3A_45] : memref<1x256xf32, #tpu.memory_space<vmem>>, vector<1x256xf32>
    %get3A_47 = arith.constant 0 : index
    %get3A_48 = arith.constant 0 : index
    %get3A_49 = vector.load %arg12[%get3A_47, %get3A_48] : memref<1x256xf32, #tpu.memory_space<vmem>>, vector<1x256xf32>
    %slice3A = vector.extract_strided_slice %get3A_40 {offsets = [0, 0], sizes = [1, 256], strides = [1, 1]} : vector<2x256xf32> to vector<1x256xf32>
    %slice3A_50 = vector.extract_strided_slice %get3A_43 {offsets = [0, 0], sizes = [1, 256], strides = [1, 1]} : vector<2x256xf32> to vector<1x256xf32>
    %add3A_51 = arith.addf %slice3A, %slice3A_50 : vector<1x256xf32>
    %get3A_52 = arith.constant 0 : index
    %get3A_53 = arith.constant 0 : index
    %get3A_54 = vector.load %arg9[%get3A_52, %get3A_53] : memref<256x256xf32, #tpu.memory_space<vmem>>, vector<256x256xf32>
    %dot_general3A_55 = arith.constant dense<0.000000e+00> : vector<1x256xf32>
    %dot_general3A_56 = tpu.matmul %add3A_51, %get3A_54, %dot_general3A_55 {dimension_numbers = #tpu.dot_dimension_numbers<[1], [0], [0], [1], [0, 0, 1, 1], [], []>, transpose_lhs_hint = false} : vector<1x256xf32>, vector<256x256xf32>, vector<1x256xf32> -> vector<1x256xf32>
    %get3A_57 = arith.constant 0 : index
    %get3A_58 = arith.constant 0 : index
    %get3A_59 = vector.load %arg10[%get3A_57, %get3A_58] : memref<1x256xf32, #tpu.memory_space<vmem>>, vector<1x256xf32>
    %add3A_60 = arith.addf %dot_general3A_56, %get3A_59 : vector<1x256xf32>
    %add3A_61 = vector.broadcast %add3A_60 : vector<1x256xf32> to vector<1024x256xf32>
    %add3A_62 = arith.addf %add3A_37, %add3A_61 : vector<1024x256xf32>
    %add3A_63 = vector.broadcast %get3A_49 : vector<1x256xf32> to vector<1024x256xf32>
    %add3A_64 = arith.addf %add3A_62, %add3A_63 : vector<1024x256xf32>
    %ge3A = arith.constant 0.000000e+00 : f32
    %ge3A_65 = vector.broadcast %ge3A : f32 to vector<1024x256xf32>
    %ge3A_66 = arith.cmpf oge, %add3A_64, %ge3A_65 : vector<1024x256xf32>
    %mul3A = arith.constant 0.00999999977 : f32
    %mul3A_67 = vector.broadcast %mul3A : f32 to vector<1024x256xf32>
    %mul3A_68 = arith.mulf %mul3A_67, %add3A_64 : vector<1024x256xf32>
    %select_n3A = arith.select %ge3A_66, %add3A_64, %mul3A_68 : vector<1024x256xi1>, vector<1024x256xf32>
    %mul3A_69 = vector.broadcast %get3A_46 : vector<1x256xf32> to vector<1024x256xf32>
    %mul3A_70 = arith.mulf %select_n3A, %mul3A_69 : vector<1024x256xf32>
    %reduce_sum3A = arith.constant dense<0.000000e+00> : vector<1024xf32>
    %reduce_sum3A_71 = vector.multi_reduction <add>, %mul3A_70, %reduce_sum3A [1] : vector<1024x256xf32> to vector<1024xf32>
    %broadcast_in_dim3A_72 = vector.shape_cast %reduce_sum3A_71 : vector<1024xf32> to vector<1024x1xf32>
    %slice3A_73 = vector.extract_strided_slice %get3A_40 {offsets = [0, 0], sizes = [1, 256], strides = [1, 1]} : vector<2x256xf32> to vector<1x256xf32>
    %slice3A_74 = vector.extract_strided_slice %get3A_43 {offsets = [1, 0], sizes = [1, 256], strides = [1, 1]} : vector<2x256xf32> to vector<1x256xf32>
    %add3A_75 = arith.addf %slice3A_73, %slice3A_74 : vector<1x256xf32>
    %get3A_76 = arith.constant 0 : index
    %get3A_77 = arith.constant 0 : index
    %get3A_78 = vector.load %arg9[%get3A_76, %get3A_77] : memref<256x256xf32, #tpu.memory_space<vmem>>, vector<256x256xf32>
    %dot_general3A_79 = arith.constant dense<0.000000e+00> : vector<1x256xf32>
    %dot_general3A_80 = tpu.matmul %add3A_75, %get3A_78, %dot_general3A_79 {dimension_numbers = #tpu.dot_dimension_numbers<[1], [0], [0], [1], [0, 0, 1, 1], [], []>, transpose_lhs_hint = false} : vector<1x256xf32>, vector<256x256xf32>, vector<1x256xf32> -> vector<1x256xf32>
    %get3A_81 = arith.constant 0 : index
    %get3A_82 = arith.constant 0 : index
    %get3A_83 = vector.load %arg10[%get3A_81, %get3A_82] : memref<1x256xf32, #tpu.memory_space<vmem>>, vector<1x256xf32>
    %add3A_84 = arith.addf %dot_general3A_80, %get3A_83 : vector<1x256xf32>
    %add3A_85 = vector.broadcast %add3A_84 : vector<1x256xf32> to vector<1024x256xf32>
    %add3A_86 = arith.addf %add3A_37, %add3A_85 : vector<1024x256xf32>
    %add3A_87 = vector.broadcast %get3A_49 : vector<1x256xf32> to vector<1024x256xf32>
    %add3A_88 = arith.addf %add3A_86, %add3A_87 : vector<1024x256xf32>
    %ge3A_89 = arith.constant 0.000000e+00 : f32
    %ge3A_90 = vector.broadcast %ge3A_89 : f32 to vector<1024x256xf32>
    %ge3A_91 = arith.cmpf oge, %add3A_88, %ge3A_90 : vector<1024x256xf32>
    %mul3A_92 = arith.constant 0.00999999977 : f32
    %mul3A_93 = vector.broadcast %mul3A_92 : f32 to vector<1024x256xf32>
    %mul3A_94 = arith.mulf %mul3A_93, %add3A_88 : vector<1024x256xf32>
    %select_n3A_95 = arith.select %ge3A_91, %add3A_88, %mul3A_94 : vector<1024x256xi1>, vector<1024x256xf32>
    %mul3A_96 = vector.broadcast %get3A_46 : vector<1x256xf32> to vector<1024x256xf32>
    %mul3A_97 = arith.mulf %select_n3A_95, %mul3A_96 : vector<1024x256xf32>
    %reduce_sum3A_98 = arith.constant dense<0.000000e+00> : vector<1024xf32>
    %reduce_sum3A_99 = vector.multi_reduction <add>, %mul3A_97, %reduce_sum3A_98 [1] : vector<1024x256xf32> to vector<1024xf32>
    %broadcast_in_dim3A_100 = vector.shape_cast %reduce_sum3A_99 : vector<1024xf32> to vector<1024x1xf32>
    %slice3A_101 = vector.extract_strided_slice %get3A_40 {offsets = [1, 0], sizes = [1, 256], strides = [1, 1]} : vector<2x256xf32> to vector<1x256xf32>
    %slice3A_102 = vector.extract_strided_slice %get3A_43 {offsets = [0, 0], sizes = [1, 256], strides = [1, 1]} : vector<2x256xf32> to vector<1x256xf32>
    %add3A_103 = arith.addf %slice3A_101, %slice3A_102 : vector<1x256xf32>
    %get3A_104 = arith.constant 0 : index
    %get3A_105 = arith.constant 0 : index
    %get3A_106 = vector.load %arg9[%get3A_104, %get3A_105] : memref<256x256xf32, #tpu.memory_space<vmem>>, vector<256x256xf32>
    %dot_general3A_107 = arith.constant dense<0.000000e+00> : vector<1x256xf32>
    %dot_general3A_108 = tpu.matmul %add3A_103, %get3A_106, %dot_general3A_107 {dimension_numbers = #tpu.dot_dimension_numbers<[1], [0], [0], [1], [0, 0, 1, 1], [], []>, transpose_lhs_hint = false} : vector<1x256xf32>, vector<256x256xf32>, vector<1x256xf32> -> vector<1x256xf32>
    %get3A_109 = arith.constant 0 : index
    %get3A_110 = arith.constant 0 : index
    %get3A_111 = vector.load %arg10[%get3A_109, %get3A_110] : memref<1x256xf32, #tpu.memory_space<vmem>>, vector<1x256xf32>
    %add3A_112 = arith.addf %dot_general3A_108, %get3A_111 : vector<1x256xf32>
    %add3A_113 = vector.broadcast %add3A_112 : vector<1x256xf32> to vector<1024x256xf32>
    %add3A_114 = arith.addf %add3A_37, %add3A_113 : vector<1024x256xf32>
    %add3A_115 = vector.broadcast %get3A_49 : vector<1x256xf32> to vector<1024x256xf32>
    %add3A_116 = arith.addf %add3A_114, %add3A_115 : vector<1024x256xf32>
    %ge3A_117 = arith.constant 0.000000e+00 : f32
    %ge3A_118 = vector.broadcast %ge3A_117 : f32 to vector<1024x256xf32>
    %ge3A_119 = arith.cmpf oge, %add3A_116, %ge3A_118 : vector<1024x256xf32>
    %mul3A_120 = arith.constant 0.00999999977 : f32
    %mul3A_121 = vector.broadcast %mul3A_120 : f32 to vector<1024x256xf32>
    %mul3A_122 = arith.mulf %mul3A_121, %add3A_116 : vector<1024x256xf32>
    %select_n3A_123 = arith.select %ge3A_119, %add3A_116, %mul3A_122 : vector<1024x256xi1>, vector<1024x256xf32>
    %mul3A_124 = vector.broadcast %get3A_46 : vector<1x256xf32> to vector<1024x256xf32>
    %mul3A_125 = arith.mulf %select_n3A_123, %mul3A_124 : vector<1024x256xf32>
    %reduce_sum3A_126 = arith.constant dense<0.000000e+00> : vector<1024xf32>
    %reduce_sum3A_127 = vector.multi_reduction <add>, %mul3A_125, %reduce_sum3A_126 [1] : vector<1024x256xf32> to vector<1024xf32>
    %broadcast_in_dim3A_128 = vector.shape_cast %reduce_sum3A_127 : vector<1024xf32> to vector<1024x1xf32>
    %slice3A_129 = vector.extract_strided_slice %get3A_40 {offsets = [1, 0], sizes = [1, 256], strides = [1, 1]} : vector<2x256xf32> to vector<1x256xf32>
    %slice3A_130 = vector.extract_strided_slice %get3A_43 {offsets = [1, 0], sizes = [1, 256], strides = [1, 1]} : vector<2x256xf32> to vector<1x256xf32>
    %add3A_131 = arith.addf %slice3A_129, %slice3A_130 : vector<1x256xf32>
    %get3A_132 = arith.constant 0 : index
    %get3A_133 = arith.constant 0 : index
    %get3A_134 = vector.load %arg9[%get3A_132, %get3A_133] : memref<256x256xf32, #tpu.memory_space<vmem>>, vector<256x256xf32>
    %dot_general3A_135 = arith.constant dense<0.000000e+00> : vector<1x256xf32>
    %dot_general3A_136 = tpu.matmul %add3A_131, %get3A_134, %dot_general3A_135 {dimension_numbers = #tpu.dot_dimension_numbers<[1], [0], [0], [1], [0, 0, 1, 1], [], []>, transpose_lhs_hint = false} : vector<1x256xf32>, vector<256x256xf32>, vector<1x256xf32> -> vector<1x256xf32>
    %get3A_137 = arith.constant 0 : index
    %get3A_138 = arith.constant 0 : index
    %get3A_139 = vector.load %arg10[%get3A_137, %get3A_138] : memref<1x256xf32, #tpu.memory_space<vmem>>, vector<1x256xf32>
    %add3A_140 = arith.addf %dot_general3A_136, %get3A_139 : vector<1x256xf32>
    %add3A_141 = vector.broadcast %add3A_140 : vector<1x256xf32> to vector<1024x256xf32>
    %add3A_142 = arith.addf %add3A_37, %add3A_141 : vector<1024x256xf32>
    %add3A_143 = vector.broadcast %get3A_49 : vector<1x256xf32> to vector<1024x256xf32>
    %add3A_144 = arith.addf %add3A_142, %add3A_143 : vector<1024x256xf32>
    %ge3A_145 = arith.constant 0.000000e+00 : f32
    %ge3A_146 = vector.broadcast %ge3A_145 : f32 to vector<1024x256xf32>
    %ge3A_147 = arith.cmpf oge, %add3A_144, %ge3A_146 : vector<1024x256xf32>
    %mul3A_148 = arith.constant 0.00999999977 : f32
    %mul3A_149 = vector.broadcast %mul3A_148 : f32 to vector<1024x256xf32>
    %mul3A_150 = arith.mulf %mul3A_149, %add3A_144 : vector<1024x256xf32>
    %select_n3A_151 = arith.select %ge3A_147, %add3A_144, %mul3A_150 : vector<1024x256xi1>, vector<1024x256xf32>
    %mul3A_152 = vector.broadcast %get3A_46 : vector<1x256xf32> to vector<1024x256xf32>
    %mul3A_153 = arith.mulf %select_n3A_151, %mul3A_152 : vector<1024x256xf32>
    %reduce_sum3A_154 = arith.constant dense<0.000000e+00> : vector<1024xf32>
    %reduce_sum3A_155 = vector.multi_reduction <add>, %mul3A_153, %reduce_sum3A_154 [1] : vector<1024x256xf32> to vector<1024xf32>
    %broadcast_in_dim3A_156 = vector.shape_cast %reduce_sum3A_155 : vector<1024xf32> to vector<1024x1xf32>
    %concatenate3A = tpu.concatenate %broadcast_in_dim3A_72, %broadcast_in_dim3A_100, %broadcast_in_dim3A_128, %broadcast_in_dim3A_156 in 1 : vector<1024x1xf32>, vector<1024x1xf32>, vector<1024x1xf32>, vector<1024x1xf32> -> vector<1024x4xf32>
    %swap3A_157 = arith.constant 0 : index
    %swap3A_158 = arith.constant 0 : index
    %swap3A_159 = vector.load %arg14[%swap3A_157, %swap3A_158] : memref<1024x4xf32, #tpu.memory_space<vmem>>, vector<1024x4xf32>
    tpu.vector_store %arg14[%swap3A_157, %swap3A_158], %concatenate3A {strides = array<i32>} : memref<1024x4xf32, #tpu.memory_space<vmem>>, vector<1024x4xf32>,
    return
  }
}

module attributes {stable_mosaic.version = 14 : i64} {
  func.func @_main_kernel(%arg0: i32, %arg1: memref<50xi32, #tpu.memory_space<smem>>, %arg2: memref<50xi32, #tpu.memory_space<smem>>, %arg3: memref<2000x256xf32, #tpu.memory_space<vmem>>, %arg4: memref<1x2000x1xi32, #tpu.memory_space<vmem>>, %arg5: memref<1x1x2000xi32, #tpu.memory_space<vmem>>, %arg6: memref<1x2000x1xf32, #tpu.memory_space<vmem>>, %arg7: memref<1152x256xbf16, #tpu.memory_space<vmem>>, %arg8: memref<256x256xbf16, #tpu.memory_space<vmem>>, %arg9: memref<1x256xf32, #tpu.memory_space<vmem>>, %arg10: memref<256x1xf32, #tpu.memory_space<vmem>>, %arg11: memref<256x256xf32, #tpu.memory_space<vmem>>, %arg12: memref<1x256xf32, #tpu.memory_space<vmem>>, %arg13: memref<1024x256xf32, #tpu.memory_space<vmem>>, %arg14: memref<1152x256xf32, #tpu.memory_space<vmem>>, %arg15: memref<1152x1xf32, #tpu.memory_space<vmem>>, %arg16: memref<2000x256xf32, #tpu.memory_space<vmem>>) attributes {dimension_semantics = [#tpu.dimension_semantics<arbitrary>], iteration_bounds = array<i64: 50>, scalar_prefetch = 2 : i64, scratch_operands = 3 : i64, tpu.core_type = #tpu.core_type<tc>, window_params = [{transform_indices = @transform_0, window_bounds = array<i64: 2000, 256>}, {transform_indices = @transform_1, window_bounds = array<i64: 1, 2000, 1>}, {transform_indices = @transform_2, window_bounds = array<i64: 1, 1, 2000>}, {transform_indices = @transform_3, window_bounds = array<i64: 1, 2000, 1>}, {pipeline_mode = #tpu.pipeline_mode<synchronous>, transform_indices = @transform_4, window_bounds = array<i64: 1152, 256>}, {pipeline_mode = #tpu.pipeline_mode<synchronous>, transform_indices = @transform_5, window_bounds = array<i64: 256, 256>}, {pipeline_mode = #tpu.pipeline_mode<synchronous>, transform_indices = @transform_6, window_bounds = array<i64: 1, 256>}, {pipeline_mode = #tpu.pipeline_mode<synchronous>, transform_indices = @transform_7, window_bounds = array<i64: 256, 1>}, {pipeline_mode = #tpu.pipeline_mode<synchronous>, transform_indices = @transform_8, window_bounds = array<i64: 256, 256>}, {pipeline_mode = #tpu.pipeline_mode<synchronous>, transform_indices = @transform_9, window_bounds = array<i64: 1, 256>}, {pipeline_mode = #tpu.pipeline_mode<synchronous>, transform_indices = @transform_10, window_bounds = array<i64: 1024, 256>}]} {
    %eq3A = arith.constant 0 : i32
    %eq3A_0 = arith.cmpi eq, %arg0, %eq3A : i32
    %convert_element_type3A = arith.extui %eq3A_0 : i1 to i32
    %cond3A = arith.constant 0 : i32
    %cond3A_1 = arith.cmpi ne, %convert_element_type3A, %cond3A : i32
    scf.if %cond3A_1 {
      %broadcast_in_dim3A = arith.constant 0.000000e+00 : f32
      %broadcast_in_dim3A_90 = vector.broadcast %broadcast_in_dim3A : f32 to vector<1152x256xf32>
      %swap3A = arith.constant 0 : index
      %swap3A_91 = arith.constant 0 : index
      %swap3A_92 = vector.load %arg14[%swap3A, %swap3A_91] : memref<1152x256xf32, #tpu.memory_space<vmem>>, vector<1152x256xf32>
      tpu.vector_store %arg14[%swap3A, %swap3A_91], %broadcast_in_dim3A_90 {strides = array<i32>} : memref<1152x256xf32, #tpu.memory_space<vmem>>, vector<1152x256xf32>,
      %broadcast_in_dim3A_93 = arith.constant 0.000000e+00 : f32
      %broadcast_in_dim3A_94 = vector.broadcast %broadcast_in_dim3A_93 : f32 to vector<1152x1xf32>
      %swap3A_95 = arith.constant 0 : index
      %swap3A_96 = arith.constant 0 : index
      %swap3A_97 = vector.load %arg15[%swap3A_95, %swap3A_96] : memref<1152x1xf32, #tpu.memory_space<vmem>>, vector<1152x1xf32>
      tpu.vector_store %arg15[%swap3A_95, %swap3A_96], %broadcast_in_dim3A_94 {strides = array<i32>} : memref<1152x1xf32, #tpu.memory_space<vmem>>, vector<1152x1xf32>,
    } else {
    }
    %get3A = arith.constant 0 : index
    %get3A_2 = arith.constant 0 : index
    %get3A_3 = vector.load %arg3[%get3A, %get3A_2] : memref<2000x256xf32, #tpu.memory_space<vmem>>, vector<2000x256xf32>
    %get3A_4 = arith.constant 0 : index
    %get3A_5 = arith.constant 0 : index
    %get3A_6 = arith.constant 0 : index
    %get3A_7 = vector.load %arg4[%get3A_4, %get3A_5, %get3A_6] : memref<1x2000x1xi32, #tpu.memory_space<vmem>>, vector<1x2000x1xi32>
    %get3A_8 = vector.shape_cast %get3A_7 : vector<1x2000x1xi32> to vector<2000x1xi32>
    %get3A_9 = arith.constant 0 : index
    %get3A_10 = arith.constant 0 : index
    %get3A_11 = arith.constant 0 : index
    %get3A_12 = vector.load %arg5[%get3A_9, %get3A_10, %get3A_11] : memref<1x1x2000xi32, #tpu.memory_space<vmem>>, vector<1x1x2000xi32>
    %get3A_13 = vector.shape_cast %get3A_12 : vector<1x1x2000xi32> to vector<1x2000xi32>
    %get3A_14 = arith.constant 0 : index
    %get3A_15 = arith.constant 0 : index
    %get3A_16 = arith.constant 0 : index
    %get3A_17 = vector.load %arg6[%get3A_14, %get3A_15, %get3A_16] : memref<1x2000x1xf32, #tpu.memory_space<vmem>>, vector<1x2000x1xf32>
    %get3A_18 = vector.shape_cast %get3A_17 : vector<1x2000x1xf32> to vector<2000x1xf32>
    %get3A_19 = arith.index_cast %arg0 : i32 to index
    %get3A_20 = memref.load %arg1[%get3A_19] : memref<50xi32, #tpu.memory_space<smem>>
    %jit3A = arith.constant 16 : i32
    %div3A = arith.divsi %get3A_20, %jit3A : i32
    %sign3A = arith.constant 0 : i32
    %sign3A_21 = arith.cmpi sgt, %get3A_20, %sign3A : i32
    %sign3A_22 = arith.extui %sign3A_21 : i1 to i32
    %sign3A_23 = arith.constant 0 : i32
    %sign3A_24 = arith.cmpi slt, %get3A_20, %sign3A_23 : i32
    %sign3A_25 = arith.extui %sign3A_24 : i1 to i32
    %sign3A_26 = arith.subi %sign3A_22, %sign3A_25 : i32
    %sign3A_27 = arith.constant 0 : i32
    %sign3A_28 = arith.cmpi sgt, %jit3A, %sign3A_27 : i32
    %sign3A_29 = arith.extui %sign3A_28 : i1 to i32
    %sign3A_30 = arith.constant 0 : i32
    %sign3A_31 = arith.cmpi slt, %jit3A, %sign3A_30 : i32
    %sign3A_32 = arith.extui %sign3A_31 : i1 to i32
    %sign3A_33 = arith.subi %sign3A_29, %sign3A_32 : i32
    %ne3A = arith.cmpi ne, %sign3A_26, %sign3A_33 : i32
    %rem3A = arith.remsi %get3A_20, %jit3A : i32
    %ne3A_34 = arith.constant 0 : i32
    %ne3A_35 = arith.cmpi ne, %rem3A, %ne3A_34 : i32
    %and3A = arith.andi %ne3A, %ne3A_35 : i1
    %sub3A = arith.constant 1 : i32
    %sub3A_36 = arith.subi %div3A, %sub3A : i32
    %select_n3A = arith.select %and3A, %sub3A_36, %div3A : i32
    %mul3A = arith.constant 16 : i32
    %mul3A_37 = arith.muli %select_n3A, %mul3A : i32
    %get3A_38 = arith.index_cast %arg0 : i32 to index
    %get3A_39 = memref.load %arg2[%get3A_38] : memref<50xi32, #tpu.memory_space<smem>>
    %sub3A_40 = arith.subi %get3A_39, %mul3A_37 : i32
    %jit3A_41 = arith.constant 128 : i32
    %div3A_42 = arith.divsi %sub3A_40, %jit3A_41 : i32
    %sign3A_43 = arith.constant 0 : i32
    %sign3A_44 = arith.cmpi sgt, %sub3A_40, %sign3A_43 : i32
    %sign3A_45 = arith.extui %sign3A_44 : i1 to i32
    %sign3A_46 = arith.constant 0 : i32
    %sign3A_47 = arith.cmpi slt, %sub3A_40, %sign3A_46 : i32
    %sign3A_48 = arith.extui %sign3A_47 : i1 to i32
    %sign3A_49 = arith.subi %sign3A_45, %sign3A_48 : i32
    %sign3A_50 = arith.constant 0 : i32
    %sign3A_51 = arith.cmpi sgt, %jit3A_41, %sign3A_50 : i32
    %sign3A_52 = arith.extui %sign3A_51 : i1 to i32
    %sign3A_53 = arith.constant 0 : i32
    %sign3A_54 = arith.cmpi slt, %jit3A_41, %sign3A_53 : i32
    %sign3A_55 = arith.extui %sign3A_54 : i1 to i32
    %sign3A_56 = arith.subi %sign3A_52, %sign3A_55 : i32
    %ne3A_57 = arith.cmpi ne, %sign3A_49, %sign3A_56 : i32
    %rem3A_58 = arith.remsi %sub3A_40, %jit3A_41 : i32
    %ne3A_59 = arith.constant 0 : i32
    %ne3A_60 = arith.cmpi ne, %rem3A_58, %ne3A_59 : i32
    %and3A_61 = arith.andi %ne3A_57, %ne3A_60 : i1
    %sub3A_62 = arith.constant 1 : i32
    %sub3A_63 = arith.subi %div3A_42, %sub3A_62 : i32
    %select_n3A_64 = arith.select %and3A_61, %sub3A_63, %div3A_42 : i32
    %add3A = arith.constant 1 : i32
    %add3A_65 = arith.addi %select_n3A_64, %add3A : i32
    %iota3A = tpu.iota {dimensions = array<i32: 1>} : vector<1x128xi32>
    %convert_element_type3A_66 = arith.truncf %get3A_3 : vector<2000x256xf32> to vector<2000x256xbf16>
    %get3A_67 = arith.constant 0 : index
    %get3A_68 = arith.constant 0 : index
    %get3A_69 = vector.load %arg8[%get3A_67, %get3A_68] : memref<256x256xbf16, #tpu.memory_space<vmem>>, vector<256x256xbf16>
    %dot_general3A = arith.constant dense<0.000000e+00> : vector<2000x256xf32>
    %dot_general3A_70 = tpu.matmul %convert_element_type3A_66, %get3A_69, %dot_general3A {dimension_numbers = #tpu.dot_dimension_numbers<[1], [0], [0], [1], [0, 0, 1, 1], [], []>, transpose_lhs_hint = false} : vector<2000x256xbf16>, vector<256x256xbf16>, vector<2000x256xf32> -> vector<2000x256xf32>
    %get3A_71 = arith.constant 0 : index
    %get3A_72 = arith.constant 0 : index
    %get3A_73 = vector.load %arg9[%get3A_71, %get3A_72] : memref<1x256xf32, #tpu.memory_space<vmem>>, vector<1x256xf32>
    %add3A_74 = vector.broadcast %get3A_73 : vector<1x256xf32> to vector<2000x256xf32>
    %add3A_75 = arith.addf %dot_general3A_70, %add3A_74 : vector<2000x256xf32>
    %eq3A_76 = arith.constant 1 : i32
    %eq3A_77 = arith.cmpi eq, %add3A_65, %eq3A_76 : i32
    %convert_element_type3A_78 = arith.extui %eq3A_77 : i1 to i32
    %cond3A_79 = arith.constant 0 : i32
    %cond3A_80 = arith.cmpi ne, %convert_element_type3A_78, %cond3A_79 : i32
    scf.if %cond3A_80 {
      %iota3A_90 = tpu.iota {dimensions = array<i32: 0>} : vector<128x2000xi32>
      %sub3A_91 = vector.broadcast %mul3A_37 : i32 to vector<1x2000xi32>
      %sub3A_92 = arith.subi %get3A_13, %sub3A_91 : vector<1x2000xi32>
      %eq3A_93 = vector.broadcast %sub3A_92 : vector<1x2000xi32> to vector<128x2000xi32>
      %eq3A_94 = arith.cmpi eq, %eq3A_93, %iota3A_90 : vector<128x2000xi32>
      %convert_element_type3A_95 = arith.extui %eq3A_94 : vector<128x2000xi1> to vector<128x2000xi32>
      %convert_element_type3A_96 = arith.sitofp %convert_element_type3A_95 : vector<128x2000xi32> to vector<128x2000xf32>
      %convert_element_type3A_97 = arith.truncf %convert_element_type3A_96 : vector<128x2000xf32> to vector<128x2000xbf16>
      %get3A_98 = arith.index_cast %mul3A_37 : i32 to index
      %get3A_99 = arith.constant 0 : index
      %get3A_100 = vector.load %arg7[%get3A_98, %get3A_99] : memref<1152x256xbf16, #tpu.memory_space<vmem>>, vector<128x256xbf16>
      %dot_general3A_101 = arith.constant dense<0.000000e+00> : vector<2000x256xf32>
      %dot_general3A_102 = tpu.matmul %convert_element_type3A_97, %get3A_100, %dot_general3A_101 {dimension_numbers = #tpu.dot_dimension_numbers<[0], [0], [1], [1], [0, 1, 1, 1], [], []>, transpose_lhs_hint = false} : vector<128x2000xbf16>, vector<128x256xbf16>, vector<2000x256xf32> -> vector<2000x256xf32>
      %add3A_103 = arith.addf %add3A_75, %dot_general3A_102 : vector<2000x256xf32>
      %ge3A = arith.constant 0.000000e+00 : f32
      %ge3A_104 = vector.broadcast %ge3A : f32 to vector<2000x256xf32>
      %ge3A_105 = arith.cmpf oge, %add3A_103, %ge3A_104 : vector<2000x256xf32>
      %mul3A_106 = arith.constant 0.00999999977 : f32
      %mul3A_107 = vector.broadcast %mul3A_106 : f32 to vector<2000x256xf32>
      %mul3A_108 = arith.mulf %mul3A_107, %add3A_103 : vector<2000x256xf32>
      %select_n3A_109 = arith.select %ge3A_105, %add3A_103, %mul3A_108 : vector<2000x256xi1>, vector<2000x256xf32>
      %get3A_110 = arith.constant 0 : index
      %get3A_111 = arith.constant 0 : index
      %get3A_112 = vector.load %arg10[%get3A_110, %get3A_111] : memref<256x1xf32, #tpu.memory_space<vmem>>, vector<256x1xf32>
      %dot_general3A_113 = arith.constant dense<0.000000e+00> : vector<2000x1xf32>
      %dot_general3A_114 = tpu.matmul %select_n3A_109, %get3A_112, %dot_general3A_113 {dimension_numbers = #tpu.dot_dimension_numbers<[1], [0], [0], [1], [0, 0, 1, 1], [], []>, transpose_lhs_hint = false} : vector<2000x256xf32>, vector<256x1xf32>, vector<2000x1xf32> -> vector<2000x1xf32>
      %add3A_115 = arith.addf %dot_general3A_114, %get3A_18 : vector<2000x1xf32>
      %exp3A = math.exp %add3A_115 : vector<2000x1xf32>
      %mul3A_116 = vector.broadcast %exp3A : vector<2000x1xf32> to vector<2000x256xf32>
      %mul3A_117 = arith.mulf %get3A_3, %mul3A_116 : vector<2000x256xf32>
      %convert_element_type3A_118 = arith.truncf %mul3A_117 : vector<2000x256xf32> to vector<2000x256xbf16>
      %get3A_119 = arith.index_cast %mul3A_37 : i32 to index
      %get3A_120 = arith.constant 0 : index
      %get3A_121 = vector.load %arg14[%get3A_119, %get3A_120] : memref<1152x256xf32, #tpu.memory_space<vmem>>, vector<128x256xf32>
      %dot_general3A_122 = arith.constant dense<0.000000e+00> : vector<128x256xf32>
      %dot_general3A_123 = tpu.matmul %convert_element_type3A_97, %convert_element_type3A_118, %dot_general3A_122 {dimension_numbers = #tpu.dot_dimension_numbers<[1], [0], [0], [1], [0, 0, 1, 1], [], []>, transpose_lhs_hint = false} : vector<128x2000xbf16>, vector<2000x256xbf16>, vector<128x256xf32> -> vector<128x256xf32>
      %add3A_124 = arith.addf %get3A_121, %dot_general3A_123 : vector<128x256xf32>
      %swap3A = arith.index_cast %mul3A_37 : i32 to index
      %swap3A_125 = arith.constant 0 : index
      %swap3A_126 = vector.load %arg14[%swap3A, %swap3A_125] : memref<1152x256xf32, #tpu.memory_space<vmem>>, vector<128x256xf32>
      tpu.vector_store %arg14[%swap3A, %swap3A_125], %add3A_124 {strides = array<i32>} : memref<1152x256xf32, #tpu.memory_space<vmem>>, vector<128x256xf32>,
      %get3A_127 = arith.index_cast %mul3A_37 : i32 to index
      %get3A_128 = arith.constant 0 : index
      %get3A_129 = vector.load %arg15[%get3A_127, %get3A_128] : memref<1152x1xf32, #tpu.memory_space<vmem>>, vector<128x1xf32>
      %convert_element_type3A_130 = arith.truncf %exp3A : vector<2000x1xf32> to vector<2000x1xbf16>
      %dot_general3A_131 = arith.constant dense<0.000000e+00> : vector<128x1xf32>
      %dot_general3A_132 = tpu.matmul %convert_element_type3A_97, %convert_element_type3A_130, %dot_general3A_131 {dimension_numbers = #tpu.dot_dimension_numbers<[1], [0], [0], [1], [0, 0, 1, 1], [], []>, transpose_lhs_hint = false} : vector<128x2000xbf16>, vector<2000x1xbf16>, vector<128x1xf32> -> vector<128x1xf32>
      %add3A_133 = arith.addf %get3A_129, %dot_general3A_132 : vector<128x1xf32>
      %swap3A_134 = arith.index_cast %mul3A_37 : i32 to index
      %swap3A_135 = arith.constant 0 : index
      %swap3A_136 = vector.load %arg15[%swap3A_134, %swap3A_135] : memref<1152x1xf32, #tpu.memory_space<vmem>>, vector<128x1xf32>
      tpu.vector_store %arg15[%swap3A_134, %swap3A_135], %add3A_133 {strides = array<i32>} : memref<1152x1xf32, #tpu.memory_space<vmem>>, vector<128x1xf32>,
    } else {
    }
    %gt3A = arith.constant 1 : i32
    %gt3A_81 = arith.cmpi sgt, %add3A_65, %gt3A : i32
    %convert_element_type3A_82 = arith.extui %gt3A_81 : i1 to i32
    %cond3A_83 = arith.constant 0 : i32
    %cond3A_84 = arith.cmpi ne, %convert_element_type3A_82, %cond3A_83 : i32
    scf.if %cond3A_84 {
      %while3A = arith.constant 0 : i32
      %while3A_90 = arith.constant 0 : i32
      %while3A_91 = arith.subi %add3A_65, %while3A : i32
      %while3A_92 = arith.addi %while3A, %while3A_91 : i32
      %while3A_93 = arith.constant 1 : i32
      %while3A_94 = arith.divsi %while3A_91, %while3A_93 : i32
      %while3A_95 = arith.muli %while3A_94, %while3A_93 : i32
      %while3A_96 = arith.addi %while3A, %while3A_95 : i32
      %while3A_97 = arith.constant 1 : i32
      %while3A_98 = scf.for %while3A_133 = %while3A to %while3A_96 step %while3A_97 iter_args(%while3A_134 = %while3A_90) -> (i32)  : i32 {
        %mul3A_135 = arith.constant 128 : i32
        %mul3A_136 = arith.muli %while3A_133, %mul3A_135 : i32
        %add3A_137 = arith.addi %mul3A_37, %mul3A_136 : i32
        %sub3A_138 = vector.broadcast %add3A_137 : i32 to vector<2000x1xi32>
        %sub3A_139 = arith.subi %get3A_8, %sub3A_138 : vector<2000x1xi32>
        %eq3A_140 = vector.broadcast %sub3A_139 : vector<2000x1xi32> to vector<2000x128xi32>
        %eq3A_141 = vector.broadcast %iota3A : vector<1x128xi32> to vector<2000x128xi32>
        %eq3A_142 = arith.cmpi eq, %eq3A_140, %eq3A_141 : vector<2000x128xi32>
        %convert_element_type3A_143 = arith.extui %eq3A_142 : vector<2000x128xi1> to vector<2000x128xi32>
        %convert_element_type3A_144 = arith.sitofp %convert_element_type3A_143 : vector<2000x128xi32> to vector<2000x128xf32>
        %convert_element_type3A_145 = arith.truncf %convert_element_type3A_144 : vector<2000x128xf32> to vector<2000x128xbf16>
        %get3A_146 = arith.index_cast %add3A_137 : i32 to index
        %get3A_147 = arith.constant 0 : index
        %get3A_148 = vector.load %arg7[%get3A_146, %get3A_147] : memref<1152x256xbf16, #tpu.memory_space<vmem>>, vector<128x256xbf16>
        %dot_general3A_149 = arith.constant dense<0.000000e+00> : vector<2000x256xf32>
        %dot_general3A_150 = tpu.matmul %convert_element_type3A_145, %get3A_148, %dot_general3A_149 {dimension_numbers = #tpu.dot_dimension_numbers<[1], [0], [0], [1], [0, 0, 1, 1], [], []>, transpose_lhs_hint = false} : vector<2000x128xbf16>, vector<128x256xbf16>, vector<2000x256xf32> -> vector<2000x256xf32>
        %eq3A_151 = arith.constant 0 : i32
        %eq3A_152 = arith.cmpi eq, %while3A_133, %eq3A_151 : i32
        %convert_element_type3A_153 = arith.extui %eq3A_152 : i1 to i32
        %cond3A_154 = arith.constant 0 : i32
        %cond3A_155 = arith.cmpi ne, %convert_element_type3A_153, %cond3A_154 : i32
        scf.if %cond3A_155 {
          %swap3A = arith.constant 0 : index
          %swap3A_162 = arith.constant 0 : index
          %swap3A_163 = vector.load %arg16[%swap3A, %swap3A_162] : memref<2000x256xf32, #tpu.memory_space<vmem>>, vector<2000x256xf32>
          tpu.vector_store %arg16[%swap3A, %swap3A_162], %dot_general3A_150 {strides = array<i32>} : memref<2000x256xf32, #tpu.memory_space<vmem>>, vector<2000x256xf32>,
        } else {
        }
        %gt3A_156 = arith.constant 0 : i32
        %gt3A_157 = arith.cmpi sgt, %while3A_133, %gt3A_156 : i32
        %convert_element_type3A_158 = arith.extui %gt3A_157 : i1 to i32
        %cond3A_159 = arith.constant 0 : i32
        %cond3A_160 = arith.cmpi ne, %convert_element_type3A_158, %cond3A_159 : i32
        scf.if %cond3A_160 {
          %get3A_162 = arith.constant 0 : index
          %get3A_163 = arith.constant 0 : index
          %get3A_164 = vector.load %arg16[%get3A_162, %get3A_163] : memref<2000x256xf32, #tpu.memory_space<vmem>>, vector<2000x256xf32>
          %add3A_165 = arith.addf %get3A_164, %dot_general3A_150 : vector<2000x256xf32>
          %swap3A = arith.constant 0 : index
          %swap3A_166 = arith.constant 0 : index
          %swap3A_167 = vector.load %arg16[%swap3A, %swap3A_166] : memref<2000x256xf32, #tpu.memory_space<vmem>>, vector<2000x256xf32>
          tpu.vector_store %arg16[%swap3A, %swap3A_166], %add3A_165 {strides = array<i32>} : memref<2000x256xf32, #tpu.memory_space<vmem>>, vector<2000x256xf32>,
        } else {
        }
        %while3A_161 = arith.constant 0 : i32
        scf.yield %while3A_161 : i32
      }
      %while3A_99 = arith.constant 1 : i32
      %while3A_100 = scf.for %while3A_133 = %while3A_96 to %while3A_92 step %while3A_99 iter_args(%while3A_134 = %while3A_98) -> (i32)  : i32 {
        %mul3A_135 = arith.constant 128 : i32
        %mul3A_136 = arith.muli %while3A_133, %mul3A_135 : i32
        %add3A_137 = arith.addi %mul3A_37, %mul3A_136 : i32
        %sub3A_138 = vector.broadcast %add3A_137 : i32 to vector<2000x1xi32>
        %sub3A_139 = arith.subi %get3A_8, %sub3A_138 : vector<2000x1xi32>
        %eq3A_140 = vector.broadcast %sub3A_139 : vector<2000x1xi32> to vector<2000x128xi32>
        %eq3A_141 = vector.broadcast %iota3A : vector<1x128xi32> to vector<2000x128xi32>
        %eq3A_142 = arith.cmpi eq, %eq3A_140, %eq3A_141 : vector<2000x128xi32>
        %convert_element_type3A_143 = arith.extui %eq3A_142 : vector<2000x128xi1> to vector<2000x128xi32>
        %convert_element_type3A_144 = arith.sitofp %convert_element_type3A_143 : vector<2000x128xi32> to vector<2000x128xf32>
        %convert_element_type3A_145 = arith.truncf %convert_element_type3A_144 : vector<2000x128xf32> to vector<2000x128xbf16>
        %get3A_146 = arith.index_cast %add3A_137 : i32 to index
        %get3A_147 = arith.constant 0 : index
        %get3A_148 = vector.load %arg7[%get3A_146, %get3A_147] : memref<1152x256xbf16, #tpu.memory_space<vmem>>, vector<128x256xbf16>
        %dot_general3A_149 = arith.constant dense<0.000000e+00> : vector<2000x256xf32>
        %dot_general3A_150 = tpu.matmul %convert_element_type3A_145, %get3A_148, %dot_general3A_149 {dimension_numbers = #tpu.dot_dimension_numbers<[1], [0], [0], [1], [0, 0, 1, 1], [], []>, transpose_lhs_hint = false} : vector<2000x128xbf16>, vector<128x256xbf16>, vector<2000x256xf32> -> vector<2000x256xf32>
        %eq3A_151 = arith.constant 0 : i32
        %eq3A_152 = arith.cmpi eq, %while3A_133, %eq3A_151 : i32
        %convert_element_type3A_153 = arith.extui %eq3A_152 : i1 to i32
        %cond3A_154 = arith.constant 0 : i32
        %cond3A_155 = arith.cmpi ne, %convert_element_type3A_153, %cond3A_154 : i32
        scf.if %cond3A_155 {
          %swap3A = arith.constant 0 : index
          %swap3A_162 = arith.constant 0 : index
          %swap3A_163 = vector.load %arg16[%swap3A, %swap3A_162] : memref<2000x256xf32, #tpu.memory_space<vmem>>, vector<2000x256xf32>
          tpu.vector_store %arg16[%swap3A, %swap3A_162], %dot_general3A_150 {strides = array<i32>} : memref<2000x256xf32, #tpu.memory_space<vmem>>, vector<2000x256xf32>,
        } else {
        }
        %gt3A_156 = arith.constant 0 : i32
        %gt3A_157 = arith.cmpi sgt, %while3A_133, %gt3A_156 : i32
        %convert_element_type3A_158 = arith.extui %gt3A_157 : i1 to i32
        %cond3A_159 = arith.constant 0 : i32
        %cond3A_160 = arith.cmpi ne, %convert_element_type3A_158, %cond3A_159 : i32
        scf.if %cond3A_160 {
          %get3A_162 = arith.constant 0 : index
          %get3A_163 = arith.constant 0 : index
          %get3A_164 = vector.load %arg16[%get3A_162, %get3A_163] : memref<2000x256xf32, #tpu.memory_space<vmem>>, vector<2000x256xf32>
          %add3A_165 = arith.addf %get3A_164, %dot_general3A_150 : vector<2000x256xf32>
          %swap3A = arith.constant 0 : index
          %swap3A_166 = arith.constant 0 : index
          %swap3A_167 = vector.load %arg16[%swap3A, %swap3A_166] : memref<2000x256xf32, #tpu.memory_space<vmem>>, vector<2000x256xf32>
          tpu.vector_store %arg16[%swap3A, %swap3A_166], %add3A_165 {strides = array<i32>} : memref<2000x256xf32, #tpu.memory_space<vmem>>, vector<2000x256xf32>,
        } else {
        }
        %while3A_161 = arith.constant 0 : i32
        scf.yield %while3A_161 : i32
      }
      %get3A_101 = arith.constant 0 : index
      %get3A_102 = arith.constant 0 : index
      %get3A_103 = vector.load %arg16[%get3A_101, %get3A_102] : memref<2000x256xf32, #tpu.memory_space<vmem>>, vector<2000x256xf32>
      %add3A_104 = arith.addf %add3A_75, %get3A_103 : vector<2000x256xf32>
      %ge3A = arith.constant 0.000000e+00 : f32
      %ge3A_105 = vector.broadcast %ge3A : f32 to vector<2000x256xf32>
      %ge3A_106 = arith.cmpf oge, %add3A_104, %ge3A_105 : vector<2000x256xf32>
      %mul3A_107 = arith.constant 0.00999999977 : f32
      %mul3A_108 = vector.broadcast %mul3A_107 : f32 to vector<2000x256xf32>
      %mul3A_109 = arith.mulf %mul3A_108, %add3A_104 : vector<2000x256xf32>
      %select_n3A_110 = arith.select %ge3A_106, %add3A_104, %mul3A_109 : vector<2000x256xi1>, vector<2000x256xf32>
      %get3A_111 = arith.constant 0 : index
      %get3A_112 = arith.constant 0 : index
      %get3A_113 = vector.load %arg10[%get3A_111, %get3A_112] : memref<256x1xf32, #tpu.memory_space<vmem>>, vector<256x1xf32>
      %dot_general3A_114 = arith.constant dense<0.000000e+00> : vector<2000x1xf32>
      %dot_general3A_115 = tpu.matmul %select_n3A_110, %get3A_113, %dot_general3A_114 {dimension_numbers = #tpu.dot_dimension_numbers<[1], [0], [0], [1], [0, 0, 1, 1], [], []>, transpose_lhs_hint = false} : vector<2000x256xf32>, vector<256x1xf32>, vector<2000x1xf32> -> vector<2000x1xf32>
      %add3A_116 = arith.addf %dot_general3A_115, %get3A_18 : vector<2000x1xf32>
      %exp3A = math.exp %add3A_116 : vector<2000x1xf32>
      %mul3A_117 = vector.broadcast %exp3A : vector<2000x1xf32> to vector<2000x256xf32>
      %mul3A_118 = arith.mulf %get3A_3, %mul3A_117 : vector<2000x256xf32>
      %convert_element_type3A_119 = arith.truncf %mul3A_118 : vector<2000x256xf32> to vector<2000x256xbf16>
      %convert_element_type3A_120 = arith.truncf %exp3A : vector<2000x1xf32> to vector<2000x1xbf16>
      %while3A_121 = arith.constant 0 : i32
      %while3A_122 = arith.constant 0 : i32
      %while3A_123 = arith.subi %add3A_65, %while3A_121 : i32
      %while3A_124 = arith.addi %while3A_121, %while3A_123 : i32
      %while3A_125 = arith.constant 1 : i32
      %while3A_126 = arith.divsi %while3A_123, %while3A_125 : i32
      %while3A_127 = arith.muli %while3A_126, %while3A_125 : i32
      %while3A_128 = arith.addi %while3A_121, %while3A_127 : i32
      %while3A_129 = arith.constant 1 : i32
      %while3A_130 = scf.for %while3A_133 = %while3A_121 to %while3A_128 step %while3A_129 iter_args(%while3A_134 = %while3A_122) -> (i32)  : i32 {
        %mul3A_135 = arith.constant 128 : i32
        %mul3A_136 = arith.muli %while3A_133, %mul3A_135 : i32
        %add3A_137 = arith.addi %mul3A_37, %mul3A_136 : i32
        %sub3A_138 = vector.broadcast %add3A_137 : i32 to vector<2000x1xi32>
        %sub3A_139 = arith.subi %get3A_8, %sub3A_138 : vector<2000x1xi32>
        %eq3A_140 = vector.broadcast %sub3A_139 : vector<2000x1xi32> to vector<2000x128xi32>
        %eq3A_141 = vector.broadcast %iota3A : vector<1x128xi32> to vector<2000x128xi32>
        %eq3A_142 = arith.cmpi eq, %eq3A_140, %eq3A_141 : vector<2000x128xi32>
        %convert_element_type3A_143 = arith.extui %eq3A_142 : vector<2000x128xi1> to vector<2000x128xi32>
        %convert_element_type3A_144 = arith.sitofp %convert_element_type3A_143 : vector<2000x128xi32> to vector<2000x128xf32>
        %convert_element_type3A_145 = arith.truncf %convert_element_type3A_144 : vector<2000x128xf32> to vector<2000x128xbf16>
        %get3A_146 = arith.index_cast %add3A_137 : i32 to index
        %get3A_147 = arith.constant 0 : index
        %get3A_148 = vector.load %arg14[%get3A_146, %get3A_147] : memref<1152x256xf32, #tpu.memory_space<vmem>>, vector<128x256xf32>
        %dot_general3A_149 = arith.constant dense<0.000000e+00> : vector<128x256xf32>
        %dot_general3A_150 = tpu.matmul %convert_element_type3A_145, %convert_element_type3A_119, %dot_general3A_149 {dimension_numbers = #tpu.dot_dimension_numbers<[0], [0], [1], [1], [0, 1, 1, 1], [], []>, transpose_lhs_hint = false} : vector<2000x128xbf16>, vector<2000x256xbf16>, vector<128x256xf32> -> vector<128x256xf32>
        %add3A_151 = arith.addf %get3A_148, %dot_general3A_150 : vector<128x256xf32>
        %swap3A = arith.index_cast %add3A_137 : i32 to index
        %swap3A_152 = arith.constant 0 : index
        %swap3A_153 = vector.load %arg14[%swap3A, %swap3A_152] : memref<1152x256xf32, #tpu.memory_space<vmem>>, vector<128x256xf32>
        tpu.vector_store %arg14[%swap3A, %swap3A_152], %add3A_151 {strides = array<i32>} : memref<1152x256xf32, #tpu.memory_space<vmem>>, vector<128x256xf32>,
        %get3A_154 = arith.index_cast %add3A_137 : i32 to index
        %get3A_155 = arith.constant 0 : index
        %get3A_156 = vector.load %arg15[%get3A_154, %get3A_155] : memref<1152x1xf32, #tpu.memory_space<vmem>>, vector<128x1xf32>
        %dot_general3A_157 = arith.constant dense<0.000000e+00> : vector<128x1xf32>
        %dot_general3A_158 = tpu.matmul %convert_element_type3A_145, %convert_element_type3A_120, %dot_general3A_157 {dimension_numbers = #tpu.dot_dimension_numbers<[0], [0], [1], [1], [0, 1, 1, 1], [], []>, transpose_lhs_hint = false} : vector<2000x128xbf16>, vector<2000x1xbf16>, vector<128x1xf32> -> vector<128x1xf32>
        %add3A_159 = arith.addf %get3A_156, %dot_general3A_158 : vector<128x1xf32>
        %swap3A_160 = arith.index_cast %add3A_137 : i32 to index
        %swap3A_161 = arith.constant 0 : index
        %swap3A_162 = vector.load %arg15[%swap3A_160, %swap3A_161] : memref<1152x1xf32, #tpu.memory_space<vmem>>, vector<128x1xf32>
        tpu.vector_store %arg15[%swap3A_160, %swap3A_161], %add3A_159 {strides = array<i32>} : memref<1152x1xf32, #tpu.memory_space<vmem>>, vector<128x1xf32>,
        %while3A_163 = arith.constant 0 : i32
        scf.yield %while3A_163 : i32
      }
      %while3A_131 = arith.constant 1 : i32
      %while3A_132 = scf.for %while3A_133 = %while3A_128 to %while3A_124 step %while3A_131 iter_args(%while3A_134 = %while3A_130) -> (i32)  : i32 {
        %mul3A_135 = arith.constant 128 : i32
        %mul3A_136 = arith.muli %while3A_133, %mul3A_135 : i32
        %add3A_137 = arith.addi %mul3A_37, %mul3A_136 : i32
        %sub3A_138 = vector.broadcast %add3A_137 : i32 to vector<2000x1xi32>
        %sub3A_139 = arith.subi %get3A_8, %sub3A_138 : vector<2000x1xi32>
        %eq3A_140 = vector.broadcast %sub3A_139 : vector<2000x1xi32> to vector<2000x128xi32>
        %eq3A_141 = vector.broadcast %iota3A : vector<1x128xi32> to vector<2000x128xi32>
        %eq3A_142 = arith.cmpi eq, %eq3A_140, %eq3A_141 : vector<2000x128xi32>
        %convert_element_type3A_143 = arith.extui %eq3A_142 : vector<2000x128xi1> to vector<2000x128xi32>
        %convert_element_type3A_144 = arith.sitofp %convert_element_type3A_143 : vector<2000x128xi32> to vector<2000x128xf32>
        %convert_element_type3A_145 = arith.truncf %convert_element_type3A_144 : vector<2000x128xf32> to vector<2000x128xbf16>
        %get3A_146 = arith.index_cast %add3A_137 : i32 to index
        %get3A_147 = arith.constant 0 : index
        %get3A_148 = vector.load %arg14[%get3A_146, %get3A_147] : memref<1152x256xf32, #tpu.memory_space<vmem>>, vector<128x256xf32>
        %dot_general3A_149 = arith.constant dense<0.000000e+00> : vector<128x256xf32>
        %dot_general3A_150 = tpu.matmul %convert_element_type3A_145, %convert_element_type3A_119, %dot_general3A_149 {dimension_numbers = #tpu.dot_dimension_numbers<[0], [0], [1], [1], [0, 1, 1, 1], [], []>, transpose_lhs_hint = false} : vector<2000x128xbf16>, vector<2000x256xbf16>, vector<128x256xf32> -> vector<128x256xf32>
        %add3A_151 = arith.addf %get3A_148, %dot_general3A_150 : vector<128x256xf32>
        %swap3A = arith.index_cast %add3A_137 : i32 to index
        %swap3A_152 = arith.constant 0 : index
        %swap3A_153 = vector.load %arg14[%swap3A, %swap3A_152] : memref<1152x256xf32, #tpu.memory_space<vmem>>, vector<128x256xf32>
        tpu.vector_store %arg14[%swap3A, %swap3A_152], %add3A_151 {strides = array<i32>} : memref<1152x256xf32, #tpu.memory_space<vmem>>, vector<128x256xf32>,
        %get3A_154 = arith.index_cast %add3A_137 : i32 to index
        %get3A_155 = arith.constant 0 : index
        %get3A_156 = vector.load %arg15[%get3A_154, %get3A_155] : memref<1152x1xf32, #tpu.memory_space<vmem>>, vector<128x1xf32>
        %dot_general3A_157 = arith.constant dense<0.000000e+00> : vector<128x1xf32>
        %dot_general3A_158 = tpu.matmul %convert_element_type3A_145, %convert_element_type3A_120, %dot_general3A_157 {dimension_numbers = #tpu.dot_dimension_numbers<[0], [0], [1], [1], [0, 1, 1, 1], [], []>, transpose_lhs_hint = false} : vector<2000x128xbf16>, vector<2000x1xbf16>, vector<128x1xf32> -> vector<128x1xf32>
        %add3A_159 = arith.addf %get3A_156, %dot_general3A_158 : vector<128x1xf32>
        %swap3A_160 = arith.index_cast %add3A_137 : i32 to index
        %swap3A_161 = arith.constant 0 : index
        %swap3A_162 = vector.load %arg15[%swap3A_160, %swap3A_161] : memref<1152x1xf32, #tpu.memory_space<vmem>>, vector<128x1xf32>
        tpu.vector_store %arg15[%swap3A_160, %swap3A_161], %add3A_159 {strides = array<i32>} : memref<1152x1xf32, #tpu.memory_space<vmem>>, vector<128x1xf32>,
        %while3A_163 = arith.constant 0 : i32
        scf.yield %while3A_163 : i32
      }
    } else {
    }
    %eq3A_85 = arith.constant 49 : i32
    %eq3A_86 = arith.cmpi eq, %arg0, %eq3A_85 : i32
    %convert_element_type3A_87 = arith.extui %eq3A_86 : i1 to i32
    %cond3A_88 = arith.constant 0 : i32
    %cond3A_89 = arith.cmpi ne, %convert_element_type3A_87, %cond3A_88 : i32
    scf.if %cond3A_89 {
      %get3A_90 = arith.constant 0 : index
      %get3A_91 = arith.constant 0 : index
      %get3A_92 = vector.load %arg14[%get3A_90, %get3A_91] : memref<1152x256xf32, #tpu.memory_space<vmem>>, vector<1024x256xf32>
      %get3A_93 = arith.constant 0 : index
      %get3A_94 = arith.constant 0 : index
      %get3A_95 = vector.load %arg15[%get3A_93, %get3A_94] : memref<1152x1xf32, #tpu.memory_space<vmem>>, vector<1024x1xf32>
      %div3A_96 = vector.broadcast %get3A_95 : vector<1024x1xf32> to vector<1024x256xf32>
      %div3A_97 = arith.divf %get3A_92, %div3A_96 : vector<1024x256xf32>
      %get3A_98 = arith.constant 0 : index
      %get3A_99 = arith.constant 0 : index
      %get3A_100 = vector.load %arg11[%get3A_98, %get3A_99] : memref<256x256xf32, #tpu.memory_space<vmem>>, vector<256x256xf32>
      %dot_general3A_101 = arith.constant dense<0.000000e+00> : vector<1024x256xf32>
      %dot_general3A_102 = tpu.matmul %div3A_97, %get3A_100, %dot_general3A_101 {dimension_numbers = #tpu.dot_dimension_numbers<[1], [0], [0], [1], [0, 0, 1, 1], [], []>, transpose_lhs_hint = false} : vector<1024x256xf32>, vector<256x256xf32>, vector<1024x256xf32> -> vector<1024x256xf32>
      %get3A_103 = arith.constant 0 : index
      %get3A_104 = arith.constant 0 : index
      %get3A_105 = vector.load %arg12[%get3A_103, %get3A_104] : memref<1x256xf32, #tpu.memory_space<vmem>>, vector<1x256xf32>
      %add3A_106 = vector.broadcast %get3A_105 : vector<1x256xf32> to vector<1024x256xf32>
      %add3A_107 = arith.addf %dot_general3A_102, %add3A_106 : vector<1024x256xf32>
      %swap3A = arith.constant 0 : index
      %swap3A_108 = arith.constant 0 : index
      %swap3A_109 = vector.load %arg13[%swap3A, %swap3A_108] : memref<1024x256xf32, #tpu.memory_space<vmem>>, vector<1024x256xf32>
      tpu.vector_store %arg13[%swap3A, %swap3A_108], %add3A_107 {strides = array<i32>} : memref<1024x256xf32, #tpu.memory_space<vmem>>, vector<1024x256xf32>,
    } else {
    }
    return
  }
  func.func @transform_0(%arg0: i32, %arg1: memref<50xi32, #tpu.memory_space<smem>>, %arg2: memref<50xi32, #tpu.memory_space<smem>>) -> (i32, i32) {
    %c0_i32 = arith.constant 0 : i32
    %c0_i32_0 = arith.constant 0 : i32
    return %arg0, %c0_i32 : i32, i32
  }
  func.func @transform_1(%arg0: i32, %arg1: memref<50xi32, #tpu.memory_space<smem>>, %arg2: memref<50xi32, #tpu.memory_space<smem>>) -> (i32, i32, i32) {
    %c0_i32 = arith.constant 0 : i32
    %c0_i32_0 = arith.constant 0 : i32
    %c0_i32_1 = arith.constant 0 : i32
    return %arg0, %c0_i32, %c0_i32_0 : i32, i32, i32
  }
  func.func @transform_2(%arg0: i32, %arg1: memref<50xi32, #tpu.memory_space<smem>>, %arg2: memref<50xi32, #tpu.memory_space<smem>>) -> (i32, i32, i32) {
    %c0_i32 = arith.constant 0 : i32
    %c0_i32_0 = arith.constant 0 : i32
    %c0_i32_1 = arith.constant 0 : i32
    return %arg0, %c0_i32, %c0_i32_0 : i32, i32, i32
  }
  func.func @transform_3(%arg0: i32, %arg1: memref<50xi32, #tpu.memory_space<smem>>, %arg2: memref<50xi32, #tpu.memory_space<smem>>) -> (i32, i32, i32) {
    %c0_i32 = arith.constant 0 : i32
    %c0_i32_0 = arith.constant 0 : i32
    %c0_i32_1 = arith.constant 0 : i32
    return %arg0, %c0_i32, %c0_i32_0 : i32, i32, i32
  }
  func.func @transform_4(%arg0: i32, %arg1: memref<50xi32, #tpu.memory_space<smem>>, %arg2: memref<50xi32, #tpu.memory_space<smem>>) -> (i32, i32) {
    %c0_i32 = arith.constant 0 : i32
    %c0_i32_0 = arith.constant 0 : i32
    %c0_i32_1 = arith.constant 0 : i32
    return %c0_i32, %c0_i32_0 : i32, i32
  }
  func.func @transform_5(%arg0: i32, %arg1: memref<50xi32, #tpu.memory_space<smem>>, %arg2: memref<50xi32, #tpu.memory_space<smem>>) -> (i32, i32) {
    %c0_i32 = arith.constant 0 : i32
    %c0_i32_0 = arith.constant 0 : i32
    %c0_i32_1 = arith.constant 0 : i32
    return %c0_i32, %c0_i32_0 : i32, i32
  }
  func.func @transform_6(%arg0: i32, %arg1: memref<50xi32, #tpu.memory_space<smem>>, %arg2: memref<50xi32, #tpu.memory_space<smem>>) -> (i32, i32) {
    %c0_i32 = arith.constant 0 : i32
    %c0_i32_0 = arith.constant 0 : i32
    %c0_i32_1 = arith.constant 0 : i32
    return %c0_i32, %c0_i32_0 : i32, i32
  }
  func.func @transform_7(%arg0: i32, %arg1: memref<50xi32, #tpu.memory_space<smem>>, %arg2: memref<50xi32, #tpu.memory_space<smem>>) -> (i32, i32) {
    %c0_i32 = arith.constant 0 : i32
    %c0_i32_0 = arith.constant 0 : i32
    %c0_i32_1 = arith.constant 0 : i32
    return %c0_i32, %c0_i32_0 : i32, i32
  }
  func.func @transform_8(%arg0: i32, %arg1: memref<50xi32, #tpu.memory_space<smem>>, %arg2: memref<50xi32, #tpu.memory_space<smem>>) -> (i32, i32) {
    %c0_i32 = arith.constant 0 : i32
    %c0_i32_0 = arith.constant 0 : i32
    %c0_i32_1 = arith.constant 0 : i32
    return %c0_i32, %c0_i32_0 : i32, i32
  }
  func.func @transform_9(%arg0: i32, %arg1: memref<50xi32, #tpu.memory_space<smem>>, %arg2: memref<50xi32, #tpu.memory_space<smem>>) -> (i32, i32) {
    %c0_i32 = arith.constant 0 : i32
    %c0_i32_0 = arith.constant 0 : i32
    %c0_i32_1 = arith.constant 0 : i32
    return %c0_i32, %c0_i32_0 : i32, i32
  }
  func.func @transform_10(%arg0: i32, %arg1: memref<50xi32, #tpu.memory_space<smem>>, %arg2: memref<50xi32, #tpu.memory_space<smem>>) -> (i32, i32) {
    %c0_i32 = arith.constant 0 : i32
    %c0_i32_0 = arith.constant 0 : i32
    %c0_i32_1 = arith.constant 0 : i32
    return %c0_i32, %c0_i32_0 : i32, i32
  }
}

</mosaic_0001>

<sc_bundles>
// kernel: kernel.5.cloned.1.call-start
scs
__scs_entry_jumppad:
0x0: {  	(pc) =	sbr.rel $0x88, $3  }
0x1: {  	(tag) =	ssettag $0x0;
	lr =	simm.s32 $0x1  }
0x2: {  	[smem:$0x3F8A] =	sst lr;
	_ =	strace $0xD0000000  }
0x3: {  	_ = 	snop  }
0x4: {  	_ = 	snop  }
0x5: {  	_ = 	snop  }
0x6: {  	_ = 	snop  }
0x7: {  	_ = 	snop  }
__scs_overlays_trampoline_lowered:
0x8: {  	[smem:$0x3F99] =	sst s0  }
0x9: {  	[smem:$0x3F9A] =	sst s1  }
0xa: {  	[smem:$0x3F9B] =	sst s2  }
0xb: {  	[smem:$0x3F9C] =	sst s3  }
0xc: {  	[smem:$0x3F9D] =	sst s4  }
0xd: {  	[smem:$0x3F9E] =	sst s5  }
0xe: {  	[smem:$0x3F9F] =	sst s6  }
0xf: {  	[smem:$0x3FA0] =	sst s7  }
0x10: {  	[smem:$0x3FA1] =	sst s8  }
0x11: {  	[smem:$0x3FA2] =	sst s9;
	s0 =	simm.s32 @!p0 $0x0  }
0x12: {  	s1 =	sld [smem:$0x3F88];
	s0 =	simm.s32 @p0 $0x1  }
0x13: {  	[smem:$0x3FA3] =	sst s0;
	s0 =	simm.s32 @!p1 $0x0  }
0x14: {  	s2 =	sld [smem:$0x3F87];
	s0 =	simm.s32 @p1 $0x1  }
0x15: {  	[smem:$0x3FA4] =	sst s0;
	s0 =	simm.s32 @!p2 $0x0  }
0x16: {  	s3 =	sld [smem:$0x3FDB];
	s0 =	simm.s32 @p2 $0x1  }
0x17: {  	s4 =	simm.s32 $0x1BF5;
	[smem:$0x3FA6] =	sst s0  }
0x18: {  	s0 =	sld [smem:$0x3F89];
	_ =	swait.ge [sflag:s4], $0x0  }
0x19: {  	s7 =	sld [smem:$0x3F8A]  }
0x1a: {  	s8 =	sadd.s32 $0xFFFFE003, lr  }
0x1b: {  	s9 =	sadd.s32 $0xFFFFFEF7, lr;
	s5 =	simm.s32 $0xFFFFFFFF;
	p2 =	slt.u32 s8, $0xFFFFF086  }
0x1c: {  	p1 =	slt.u32 s9, $0xF7A;
	s5 =	simm.s32 @!p2 $0x0  }
0x1d: {  	s5 =	simm.s32 @p1 $0x1;
	p0 =	seq.s32 s7, s2  }
0x1e: {  	s7 =	smul.u32 @!p0 $0xF7A, s2;
	p2 =	seq.s32 @!p0 s5, $0x0  }
0x1f: {  	s9 =	smul.u32 $0xF7A, s1;
	s8 =	simm.s32 @!p0 $0x1BF5;
	p2 =	por !p2, p0  }
0x20: {  	[sflag:s8] =	ssyncset.s32 @!p0 $0xFFFFF086;
	s6 =	sadd.s32 @!p0 s3, s7;
	s7 =	simm.s32 @!p0 $0x108  }
0x21: {  	s3 =	sadd.s32 s3, s9;
	s6 =	sadd.s32 @!p0 $0x88, s6;
	s7 =	simm.s32 @p2 $0x1082  }
0x22: {  	[simem:s7], [sflag:s8] =	dma.local @!p0 [hbm:s6], $0xF7A  }
0x23: {  	s9 =	sor.u32 $0xD0000000, s2;
	s6 =	simm.s32 $0x108;
	_ =	swait.ge @!p0 [sflag:s8], $0x0  }
0x24: {  	s3 =	sadd.s32 $0x88, s3;
	s6 =	simm.s32 @!p1 $0x1082;
	[sflag:s4] =	ssyncset.s32 $0xFFFFF086  }
0x25: {  	[simem:s6], [sflag:s4] =	dma.local [hbm:s3], $0xF7A  }
0x26: {  	[smem:$0x3F8A] =	sst s1;
	(tag) =	ssettag s2;
	_ =	strace s9  }
0x27: {  	s1 =	sld [smem:$0x3F9A]  }
0x28: {  	s2 =	sld [smem:$0x3F9B]  }
0x29: {  	s4 =	sld [smem:$0x3F9D]  }
0x2a: {  	p0 =	seq.s32 s5, $0x0;
	s5 =	sld [smem:$0x3F9E]  }
0x2b: {  	s6 =	sld [smem:$0x3F9F]  }
0x2c: {  	s7 =	sld [smem:$0x3FA0]  }
0x2d: {  	s3 =	simm.s32 $0x108;
	s8 =	sld [smem:$0x3FA1]  }
0x2e: {  	s3 =	simm.s32 @!p0 $0x1082;
	s9 =	sld [smem:$0x3FA2]  }
0x2f: {  	lr =	sadd.s32 s0, s3;
	s0 =	sld [smem:$0x3F99]  }
0x30: {  	s3 =	sld [smem:$0x3F9C]  }
0x31: {  	[smem:$0x3FA5] =	sst s10  }
0x32: {  	s10 =	sld [smem:$0x3FA3];
	_ =	sdelay $0x3  }
0x33: {  	p0 =	seq.s32 s10, $0x1;
	s10 =	sld [smem:$0x3FA5];
	_ =	sdelay $0x3  }
0x34: {  	[smem:$0x3FA5] =	sst s10  }
0x35: {  	s10 =	sld [smem:$0x3FA4];
	_ =	sdelay $0x3  }
0x36: {  	p1 =	seq.s32 s10, $0x1;
	s10 =	sld [smem:$0x3FA5];
	_ =	sdelay $0x3  }
0x37: {  	[smem:$0x3FA5] =	sst s10  }
0x38: {  	s10 =	sld [smem:$0x3FA6]  }
0x39: {  	_ = 	snop;
	(pc) =	sbr.ind lr, $3  }
0x3a: {  	_ = 	snop  }
0x3b: {  	_ = 	snop  }
0x3c: {  	p2 =	seq.s32 s10, $0x1;
	s10 =	sld [smem:$0x3FA5]  }
0x3d: {  	_ =	shalt  }
0x3e: {  	_ =	shalt  }
0x3f: {  	_ =	shalt  }
0x40: {  	_ =	shalt  }
0x41: {  	_ =	shalt  }
0x42: {  	_ =	shalt  }
0x43: {  	_ =	shalt  }
0x44: {  	_ =	shalt  }
0x45: {  	_ =	shalt  }
0x46: {  	_ =	shalt  }
0x47: {  	_ =	shalt  }
0x48: {  	_ =	shalt  }
0x49: {  	_ =	shalt  }
0x4a: {  	_ =	shalt  }
0x4b: {  	_ =	shalt  }
0x4c: {  	_ =	shalt  }
0x4d: {  	_ =	shalt  }
0x4e: {  	_ =	shalt  }
0x4f: {  	_ =	shalt  }
0x50: {  	_ =	shalt  }
0x51: {  	_ =	shalt  }
0x52: {  	_ =	shalt  }
0x53: {  	_ =	shalt  }
0x54: {  	_ =	shalt  }
0x55: {  	_ =	shalt  }
0x56: {  	_ =	shalt  }
0x57: {  	_ =	shalt  }
0x58: {  	_ =	shalt  }
0x59: {  	_ =	shalt  }
0x5a: {  	_ =	shalt  }
0x5b: {  	_ =	shalt  }
0x5c: {  	_ =	shalt  }
0x5d: {  	_ =	shalt  }
0x5e: {  	_ =	shalt  }
0x5f: {  	_ =	shalt  }
0x60: {  	_ =	shalt  }
0x61: {  	_ =	shalt  }
0x62: {  	_ =	shalt  }
0x63: {  	_ =	shalt  }
0x64: {  	_ =	shalt  }
0x65: {  	_ =	shalt  }
0x66: {  	_ =	shalt  }
0x67: {  	_ =	shalt  }
0x68: {  	_ =	shalt  }
0x69: {  	_ =	shalt  }
0x6a: {  	_ =	shalt  }
0x6b: {  	_ =	shalt  }
0x6c: {  	_ =	shalt  }
0x6d: {  	_ =	shalt  }
0x6e: {  	_ =	shalt  }
0x6f: {  	_ =	shalt  }
0x70: {  	_ =	shalt  }
0x71: {  	_ =	shalt  }
0x72: {  	_ =	shalt  }
0x73: {  	_ =	shalt  }
0x74: {  	_ =	shalt  }
0x75: {  	_ =	shalt  }
0x76: {  	_ =	shalt  }
0x77: {  	_ =	shalt  }
0x78: {  	_ =	shalt  }
0x79: {  	_ =	shalt  }
0x7a: {  	_ =	shalt  }
0x7b: {  	_ =	shalt  }
0x7c: {  	_ =	shalt  }
0x7d: {  	_ =	shalt  }
0x7e: {  	_ =	shalt  }
0x7f: {  	_ =	shalt  }
0x80: {  	_ =	shalt  }
0x81: {  	_ =	shalt  }
0x82: {  	_ =	shalt  }
0x83: {  	_ =	shalt  }
0x84: {  	_ =	shalt  }
0x85: {  	_ =	shalt  }
0x86: {  	_ =	shalt  }
0x87: {  	_ =	shalt  }
.Lfunc_end0:
.L_simem_size_0:
called_computation_lowered:
.L_overlay_start_0:
0x88: {  	s2 =	sld [smem:$0x3FD9]  }
0x89: {  	s3 =	sld [smem:$0x3FFE];
	_ =	sdelay $0x1  }
0x8a: {  	s1 =	srdreg.scid  }
0x8b: {  	s0 =	sand.u32 $0x1, s1  }
0x8c: {  	s14 =	sshll.u32 s0, $0xA;
	s2 =	sadd.s32 s3, s2  }
0x8d: {  	s2 =	sadd.s32 s2, s14  }
0x8e: {  	[smem:$0x3FB1] =	sst s2  }
0x8f: {  	_ = 	snop  }
0x90: {  	s2 =	sld [smem:$0x3FD0];
	_ =	sdelay $0x2  }
0x91: {  	s15 =	simm.s32 $0xA;
	s4 =	simm.s32 $0x10  }
0x92: {  	[smem:s4], [sflag:s15] =	dma.local [hbm:s2], $0x1  }
0x93: {  	_ =	swait.eq [sflag:s15], $0x1  }
0x94: {  	[sflag:s15] =	ssyncset.done $0x0  }
0x95: {  	s16 =	sld [smem:$0x10];
	[sflag:s15] =	ssyncadd.s32 $0xFFFFFFFF  }
0x96: {  	s17 =	sld [smem:$0x11];
	(tm) =	ssettm $0x1  }
0x97: {  	s18 =	sld [smem:$0x3FFB];
	_ =	sdelay $0x3  }
0x98: {  	_ =	strace s18  }
0x99: {  	s4 =	sld [smem:$0x3FFC];
	_ =	sdelay $0x3  }
0x9a: {  	_ =	strace s4  }
0x9b: {  	s4 =	sld [smem:$0x3FFD];
	_ =	sdelay $0x3  }
0x9c: {  	_ =	strace s4  }
0x9d: {  	_ =	strace $0x8FFFFFFF  }
0x9e: {  	s19 =	sld [smem:$0x3FDB];
	_ =	sdelay $0x1  }
0x9f: {  	s5 =	simm.s32 $_scs_section_size  }
0xa0: {  	s6 =	simm.s32 $_size__tile_overlayer_lowered;
	s7 =	simm.s32 $_tile_overlayer_lowered  }
0xa1: {  	s22 =	simm.s32 $0x1BFF;
	s21 =	sshll.u32 s7, $0x1;
	s4 =	sadd.s32 s5, s19  }
0xa2: {  	s8 =	simm.s32 $0x0;
	s20 =	sshll.u32 s6, $0x1;
	s6 =	sadd.s32 s21, s4  }
0xa3: {  	[timem:s8], [sflag:s22] =	dma.local [hbm:s6], s20  }
0xa4: {  	_ =	swait.ge [sflag:s22], s20  }
0xa5: {  	s5 =	ssub.s32 $0x0, s20;
	[sflag:s22] =	ssyncset.done $0x0  }
0xa6: {  	[sflag:s22] =	ssyncadd.s32 s5;
	_ =	sdelay $0x1  }
0xa7: {  	s23 =	simm.s32 $0x1B8B  }
0xa8: {  	_ =	swait.ge [sflag:s23], $0x1  }
0xa9: {  	[sflag:s23] =	ssyncset.done $0x0  }
0xaa: {  	s25 =	simm.s32 $0x1B8E;
	s24 =	sld [smem:$0x3FFE];
	[sflag:s23] =	ssyncadd.s32 $0xFFFFFFFF  }
0xab: {  	s26 =	simm.s32 $execute0_lowered;
	[smem:$0x3FD2] =	sst s25  }
0xac: {  	s6 =	sshll.u32 s26, $0x1;
	_ =	strace $0x80000046;
	[dreg:$0x1] =	wrdreg $0xFFFFFFFF  }
0xad: {  	s28 =	simm.s32 $_size_execute0_lowered;
	s4 =	sadd.s32 s4, s6;
	[dreg:$0x0] =	wrdreg $0x0  }
0xae: {  	s6 =	sshll.u32 s28, $0x1;
	[dreg:$0x2] =	wrdreg s4  }
0xaf: {  	[dreg:$0x3] =	wrdreg s6  }
0xb0: {  	[dreg:$0x4] =	wrdreg $0xC0  }
0xb1: {  	_ =	task [dreg:s8], $0x5FFFF  }
0xb2: {  	[dreg:$0x1] =	wrdreg $0xFFFFFFFF  }
0xb3: {  	[dreg:$0x0] =	wrdreg $0x60  }
0xb4: {  	[dreg:$0x2] =	wrdreg s24  }
0xb5: {  	[dreg:$0x3] =	wrdreg s17  }
0xb6: {  	[dreg:$0x4] =	wrdreg s16  }
0xb7: {  	[dreg:$0x5] =	wrdreg $0x9  }
0xb8: {  	_ =	task.clear_ibuf [dreg:s8], $0x6FFFF;
	_ =	strace $0x90000046  }
0xb9: {  	s29 =	simm.s32 $0x9;
	_ =	strace $0x80000048  }
0xba: {  	_ =	swait.ge [sflag:s29], $0x1  }
0xbb: {  	[sflag:s29] =	ssyncadd.s32 $0xFFFFFFFF  }
0xbc: {  	_ =	strace $0x90000048  }
0xbd: {  	_ =	sfence  }
0xbe: {  	s30 =	sld [smem:$0x0];
	_ =	sdelay $0x2  }
0xbf: {  	s31 =	sshll.u32 s1, $0xD;
	s1 =	sshrl.u32 s1, $0x2  }
0xc0: {  	s3 =	sand.u32 $0x4000, s31;
	s1 =	sadd.s32 s1, s30  }
0xc1: {  	s0 =	sor.u32 s3, s0;
	s1 =	sshll.u32 s1, $0x11  }
0xc2: {  	s0 =	sor.u32 s1, s0  }
0xc3: {  	s0 =	sadd.s32 $0x8F2B, s0  }
0xc4: {  	[sflag:s0] =	ssyncadd.remote.s32 $0x1  }
0xc5: {  	_ =	sfence.sel $0xFFFF  }
0xc6: {  	[dreg:$0x0] =	wrdreg $0xFFFFFFFF;
	(pc) =	sbr.abs _section_cstart, $3  }
0xc7: {  	[dreg:$0x1] =	wrdreg $0xFFFFFFFF  }
0xc8: {  	_ =	task.clear_ibuf [dreg:s8], $0x2FFFF;
	_ =	strace $0x9FFFFFFF  }
0xc9: {  	(tm) =	ssettm $0x7FFFFFFF  }
tec
execute0_lowered:
.L_overlay_start_1:
0x0: {  	(tag) =	ssettag $0x1  }
0x1: {  	s5 =	rddreg [dreg:$0x0]  }
0x2: {  	s1 =	rddreg [dreg:$0x1]  }
0x3: {  	s2 =	rddreg [dreg:$0x2];
	s3 =	srdreg.scid  }
0x4: {  	s0 =	rddreg [dreg:$0x3];
	s4 =	simm.s32 $0x0;
	s10 =	simm.s32 $0x1200  }
0x5: {  	s11 =	simm.s32 $0x0;
	s6 =	sand.u32 $0x1, s3;
	[smem:$0x7FF] =	sst s4  }
0x6: {  	s3 =	stileid.u32;
	s5 =	sadd.s32 $0x2400, s5;
	s7 =	ssub.s32 $0x2, s6  }
0x7: {  	_ =	strace $0x80000047;
	s9 =	sshll.u32 s3, $0x1;
	s8 =	sshrl.u32 s7, $0x1  }
0x8: {  	s6 =	sor.u32 s6, s9;
	s9 =	simm.s32 $0x1000;
	s7 =	ssub.s32 s7, s8  }
0x9: {  	v0 =	vimm.f32 $0.0e+00;
	s6 =	smul.u32 $0xC40, s6;
	s8 =	simm.s32 $0x1;
	s7 =	smax.u32 s7, $0x1  }
.LBB2_1:
0xa: {  	[tilespmem:s4], [sflag:$0x1] =	stream.linear.gather [hbm4b:s5+s4], $0x1000, $0x38;
	[tilespmem:$0x1400] =	vst v63  }
0xb: {  	_ =	swait.ge [sflag:s8], $0x1000  }
0xc: {  	[sflag:s8] =	ssyncset.done $0x0  }
0xd: {  	s12 =	simm.s32 $0x0;
	[sflag:s8] =	ssyncadd.s32 $0xFFFFF000  }
.LBB2_2:
0xe: {  	s13 =	smul.u32 $0x1C0, s12;
	_ =	sdelay $0x1  }
0xf: {  	s13 =	sadd.s32 s6, s13  }
0x10: {  	s13 =	sshrl.u32 s13, $0x3  }
0x11: {  	s15 =	simm.s32 $0x0;
	s14 =	sadd.s32 s1, s13  }
0x12: {  	[tilespmem:s9], [sflag:$0x1] =	stream.linear.gather [hbm4b:s14+s15], $0x1C0, $0x38;
	[tilespmem:$0x1400] =	vst v63  }
0x13: {  	_ =	swait.ge [sflag:s8], $0x1C0  }
0x14: {  	[sflag:s8] =	ssyncset.done $0x0  }
0x15: {  	s15 =	simm.s32 $0x0;
	[sflag:s8] =	ssyncadd.s32 $0xFFFFFE40  }
0x16: {  	v1 =	vld [tilespmem:s15+$0x1000];
	_ =	sdelay $0x4  }
0x17: {  	s14 =	simm.s32 $0x10;
	v4 =	vand.u32 $0x3, v1  }
0x18: {  	v2 =	vld [tilespmem:s14+$0x1000];
	v3 =	vshrl.u32 v1, $0x2;
	v1 =	vand.u32 $0xFFFFFE00, v1;
	v5 =	vshll.u32 v4, $0x7  }
0x19: {  	v3 =	vand.u32 $0x7F, v3;
	v1 =	vor.u32 v1, v5  }
0x1a: {  	v3 =	vor.u32 v3, v1;
	_ =	sdelay $0x2  }
0x1b: {  	v1 =	vand.u32 $0x3, v2  }
0x1c: {  	v5 =	vshrl.u32 v2, $0x2;
	v2 =	vand.u32 $0xFFFFFE00, v2;
	v6 =	vshll.u32 v1, $0x7  }
0x1d: {  	v6 =	vor.u32 v2, v6;
	v2 =	vld.idx.msk [tilespmem:v3+s4+$0x0], $0xffff;
	_ =	sdelay $0x1  }
0x1e: {  	v5 =	vand.u32 $0x7F, v5  }
0x1f: {  	s16 =	simm.s32 $0x20;
	s17 =	simm.s32 $0xC0;
	vm0 =	veq.s32 v4, $0x0;
	v3 =	vor.u32 v5, v6  }
.LBB2_3:
0x20: {  	p0 =	sne.s32 s17, $0x6C0;
	v4 =	vld [tilespmem:s16+$0x1000];
	v5 =	vsel vm0, $0xCCBEBC20, v0  }
0x21: {  	v2 =	vadd.f32 v5, v2;
	_ =	sdelay $0x1  }
0x22: {  	[tilespmem:s15+$0x1200] =	vst v2;
	s15 =	smov.u32 s14;
	s14 =	smov.u32 s16  }
.Ltmp0:
0x23: {  	v2 =	vld.idx.msk [tilespmem:v3+s4+$0x0], $0xffff;
	(pc) =	sbr.rel @p0 .LBB2_3-.Ltmp0, $4  }
0x24: {  	v5 =	vand.u32 $0x3, v4  }
0x25: {  	v3 =	vshrl.u32 v4, $0x2;
	v4 =	vand.u32 $0xFFFFFE00, v4;
	v6 =	vshll.u32 v5, $0x7  }
0x26: {  	v3 =	vand.u32 $0x7F, v3;
	v4 =	vor.u32 v4, v6  }
0x27: {  	vm0 =	veq.s32 v1, $0x0;
	s16 =	sshra.s32 s17, $0x2;
	s17 =	sadd.s32 $0x40, s17;
	v1 =	vmov v5;
	v3 =	vor.u32 v3, v4  }
0x28: {  	v4 =	vld [tilespmem:s16+$0x1000]  }
0x29: {  	v5 =	vsel vm0, $0xCCBEBC20, v0  }
0x2a: {  	v2 =	vadd.f32 v5, v2;
	_ =	sdelay $0x1  }
0x2b: {  	[tilespmem:s15+$0x1200] =	vst v2  }
0x2c: {  	v2 =	vld.idx.msk [tilespmem:v3+s4+$0x0], $0xffff;
	v3 =	vand.u32 $0x3, v4  }
0x2d: {  	v63 =	vshrl.u32 v4, $0x2;
	v4 =	vand.u32 $0xFFFFFE00, v4;
	v6 =	vshll.u32 v3, $0x7  }
0x2e: {  	v5 =	vand.u32 $0x7F, v63;
	v4 =	vor.u32 v4, v6  }
0x2f: {  	vm14 =	veq.s32 v1, $0x0;
	v4 =	vor.u32 v5, v4  }
0x30: {  	v1 =	vsel vm14, $0xCCBEBC20, v0  }
0x31: {  	v1 =	vadd.f32 v1, v2;
	_ =	sdelay $0x1  }
0x32: {  	[tilespmem:s14+$0x1200] =	vst v1  }
0x33: {  	v1 =	vld.idx.msk [tilespmem:v4+s4+$0x0], $0xffff;
	_ =	sdelay $0x2  }
0x34: {  	vm15 =	veq.s32 v3, $0x0  }
0x35: {  	v2 =	vsel vm15, $0xCCBEBC20, v0  }
0x36: {  	s12 =	sadd.s32 $0x1, s12;
	v1 =	vadd.f32 v2, v1  }
0x37: {  	p0 =	sne.s32 s12, $0x7  }
.Ltmp1:
0x38: {  	s13 =	sadd.s32 s2, s13;
	[tilespmem:s16+$0x1200] =	vst v1;
	(pc) =	sbr.rel @p0 .LBB2_2-.Ltmp1, $4  }
0x39: {  	[hbm4b:s13+s4] =	stream.linear.scatter [tilespmem:s10], [sflag:$0x1], $0x1C0, $0x38;
	[tilespmem:$0x1400] =	vst v63  }
0x3a: {  	_ =	swait.ge [sflag:s8], $0x1C0  }
0x3b: {  	[sflag:s8] =	ssyncset.done $0x0  }
0x3c: {  	[sflag:s8] =	ssyncadd.s32 $0xFFFFFE40  }
0x3d: {  	s11 =	sadd.s32 $0x1, s11  }
0x3e: {  	p0 =	sne.s32 s11, s7  }
.Ltmp2:
0x3f: {  	_ = 	snop;
	(pc) =	sbr.rel @p0 .LBB2_1-.Ltmp2, $1  }
0x40: {  	_ =	sdelay $0x3  }
0x41: {  	_ =	sfence.sel $0x180000  }
0x42: {  	[bflag:$0x0] =	sbarrier.arrive $0xFFFF  }
0x43: {  	p0 =	sne.s32 s3, $0x0;
	_ =	strace $0x90000047  }
0x44: {  	s0 =	sadd.s32 @!p0 $0x100000, s0;
	[bflag:$0x2] =	sbarrier.arrive $0xFFFF  }
0x45: {  	[sflag:s0] =	ssyncadd.tile.s32 @!p0 $0x1;
	_ =	shalt  }
.Lfunc_end2:
_tile_overlayer_lowered:
.L_overlay_start_2:
0x46: {  	(tag) =	ssettag $0x2  }
0x47: {  	s0 =	rddreg [dreg:$0x0];
	s2 =	stileid.u32  }
0x48: {  	s1 =	rddreg [dreg:$0x1];
	p0 =	sne.s32 s2, $0x0  }
0x49: {  	s3 =	rddreg [dreg:$0x2];
	[bflag:$0x3] =	sbarrier.arrive $0xFFFF;
	s2 =	simm.s32 @!p0 $0x1C02  }
0x4a: {  	[timem:s3], [sflag:s2] =	dma.local @!p0 [hbm:s0], s1  }
0x4b: {  	s0 =	simm.s32 @!p0 $0x2  }
0x4c: {  	_ =	swait.ge @!p0 [sflag:s0], s1  }
0x4d: {  	s1 =	ssub.s32 @!p0 $0x0, s1;
	[sflag:s0] =	ssyncset.done @!p0 $0x0  }
0x4e: {  	[sflag:s0] =	ssyncadd.s32 @!p0 s1  }
0x4f: {  	[bflag:$0x3] =	sbarrier.arrive $0xFFFF  }
0x50: {  	_ =	shalt  }

</sc_bundles>
